<compile_context>
chip_gen: v7x
topology: tpu7x:2x2x1
jax: 0.10.2.dev20260603
libtpu: 0.0.44.dev20260713+nightly
codegen_flags: <defaults>
</compile_context>

<pallas_src>
import jax
import jax.numpy as jnp
from jax import lax
from jax.experimental import pallas as pl
from jax.experimental.pallas import tpu as pltpu
from jax.experimental.pallas import tpu_sc as plsc

_TEMP = 0.05
_M = 100000
_F = 64
_B = 1024
_L = 5000
_LPAD = 5120
_CHUNK = 512
_NFULL = _M // _CHUNK
_NCHUNKS = _NFULL + 1
_TAIL_START = _M - _CHUNK
_TAIL_DUP = _NFULL * _CHUNK - _TAIL_START
_DUMP = _LPAD - 1
_NW = 32
_STRIPE = _LPAD // 16
_MAXCH = -(-_NCHUNKS // _NW)
_LEFT = _NCHUNKS - (_NCHUNKS // _NW) * _NW
_LROWS = _MAXCH * _NW


def _chunk_start(cid):
    return jnp.where(cid == _NFULL, _TAIL_START, cid * _CHUNK)


def _sc_body(feat_hbm, lab2d_hbm, labels_hbm, idx_hbm, zg_hbm, zn_hbm,
             ones_hbm, g_out, n_out, t_out,
             feat0, feat1, lab_vm, ones_vm, idx_vm, tgt_vm, g_sh, n_sh,
             lsem0, lsem1, sem, osem):
    c = lax.axis_index("c")
    s = lax.axis_index("s")
    w = s * 2 + c

    pltpu.sync_copy(zg_hbm, g_sh.at[pl.ds(s * _STRIPE, _STRIPE)])
    pltpu.sync_copy(zn_hbm, n_sh.at[pl.ds(s * _STRIPE, _STRIPE)])
    pltpu.sync_copy(ones_hbm, ones_vm)

    nch = jnp.where(w < _LEFT, _MAXCH, _MAXCH - 1)
    first = jnp.where(w < _LEFT, w * _MAXCH,
                      _LEFT * _MAXCH + (w - _LEFT) * (_MAXCH - 1))
    pltpu.sync_copy(lab2d_hbm.at[pl.ds(first, _MAXCH)], lab_vm)
    plsc.subcore_barrier()

    feat = (feat0, feat1)
    lsem = (lsem0, lsem1)

    loads = []
    for j in range(_MAXCH):
        loads.append(pltpu.make_async_copy(
            feat_hbm.at[pl.ds(_chunk_start(first + j), _CHUNK)],
            feat[j % 2], lsem[j % 2]))
    loads[0].start()
    for j in range(_MAXCH):
        @pl.when(j < nch)
        def _(j=j):
            if j + 1 < _MAXCH:
                @pl.when(j + 1 < nch)
                def _():
                    loads[j + 1].start()
            loads[j].wait()
            pltpu.async_copy(ones_vm, n_sh.at[lab_vm.at[j]], osem, add=True)
            pltpu.sync_copy(feat[j % 2], g_sh.at[lab_vm.at[j]], add=True)

    for j in range(_MAXCH):
        @pl.when(j < nch)
        def _(j=j):
            pltpu.make_async_copy(ones_hbm, ones_vm, osem).wait()

    nb = _B // _NW
    pltpu.sync_copy(idx_hbm.at[pl.ds(w * nb, nb)], idx_vm)
    pltpu.async_copy(labels_hbm.at[idx_vm], tgt_vm, sem).wait()
    pltpu.sync_copy(tgt_vm, t_out.at[pl.ds(w * nb, nb)])

    plsc.subcore_barrier()
    off = c * _LPAD + s * _STRIPE
    pltpu.sync_copy(g_sh.at[pl.ds(s * _STRIPE, _STRIPE)],
                    g_out.at[pl.ds(off, _STRIPE)])
    pltpu.sync_copy(n_sh.at[pl.ds(s * _STRIPE, _STRIPE)],
                    n_out.at[pl.ds(off, _STRIPE)])


def _make_sc_segment_sum():
    return pl.kernel(
        _sc_body,
        out_type=(
            jax.ShapeDtypeStruct((2 * _LPAD, _F), jnp.float32),
            jax.ShapeDtypeStruct((2 * _LPAD, 16), jnp.float32),
            jax.ShapeDtypeStruct((_B,), jnp.int32),
        ),
        mesh=plsc.VectorSubcoreMesh(core_axis_name="c", subcore_axis_name="s",
                                    num_cores=2, num_subcores=16),
        compiler_params=pltpu.CompilerParams(use_tc_tiling_on_sc=False),
        scratch_types=[
            pltpu.VMEM((_CHUNK, _F), jnp.float32),
            pltpu.VMEM((_CHUNK, _F), jnp.float32),
            pltpu.VMEM((_MAXCH, _CHUNK), jnp.int32),
            pltpu.VMEM((_CHUNK, 16), jnp.float32),
            pltpu.VMEM((_B // _NW,), jnp.int32),
            pltpu.VMEM((_B // _NW,), jnp.int32),
            pltpu.VMEM_SHARED((_LPAD, _F), jnp.float32),
            pltpu.VMEM_SHARED((_LPAD, 16), jnp.float32),
            pltpu.SemaphoreType.DMA,
            pltpu.SemaphoreType.DMA,
            pltpu.SemaphoreType.DMA,
            pltpu.SemaphoreType.DMA,
        ],
    )


def _tc_body(x_ref, g_ref, n_ref, t_ref, o_ref, acc):
    i = pl.program_id(0)
    x = x_ref[...]
    norm = jnp.sqrt(jnp.sum(x * x, axis=1, keepdims=True))
    xn = x / jnp.maximum(norm, 1e-12)

    g = g_ref[0:_LPAD, :] + g_ref[_LPAD:2 * _LPAD, :]
    nums = n_ref[0:_LPAD, 0:1] + n_ref[_LPAD:2 * _LPAD, 0:1]
    has = nums > 0.0
    row = lax.broadcasted_iota(jnp.int32, (_LPAD, 1), 0)
    valid = jnp.logical_and(has, row < _L)
    gs = g * (1.0 / (_TEMP * jnp.where(has, nums, 1.0)))
    bias = jnp.where(valid, 0.0, -1e9)

    dn = (((1,), (1,)), ((), ()))
    sim = lax.dot_general(xn, gs, dn, preferred_element_type=jnp.float32)
    ones = jnp.full((x.shape[0], 1), 1.0, jnp.float32)
    sim = sim + lax.dot_general(ones, bias, dn,
                                preferred_element_type=jnp.float32)
    e = jnp.exp(sim)
    sums = jnp.sum(e, axis=1, keepdims=True) + 1e-6
    t = t_ref[...]
    col = lax.broadcasted_iota(jnp.int32, sim.shape, 1)
    tv = jnp.sum(jnp.where(col == t, sim, 0.0), axis=1, keepdims=True)
    lossb = -jnp.log(jnp.exp(tv) / sums + 1e-6)

    @pl.when(i == 0)
    def _():
        acc[0] = 0.0

    acc[0] += jnp.sum(lossb)
    o_ref[0, 0] = acc[0] * (1.0 / _B)


_tc_loss = pl.pallas_call(
    _tc_body,
    grid=(_B // 128,),
    in_specs=[
        pl.BlockSpec((128, _F), lambda i: (i, 0)),
        pl.BlockSpec((2 * _LPAD, _F), lambda i: (0, 0)),
        pl.BlockSpec((2 * _LPAD, 16), lambda i: (0, 0)),
        pl.BlockSpec((128, 1), lambda i: (i, 0)),
    ],
    out_specs=pl.BlockSpec(memory_space=pltpu.SMEM),
    out_shape=jax.ShapeDtypeStruct((1, 1), jnp.float32),
    scratch_shapes=[pltpu.SMEM((1,), jnp.float32)],
)


def kernel(inputs, indexes, features, labels):
    lab_full = labels[: _NFULL * _CHUNK].reshape(_NFULL, _CHUNK)
    tail = jnp.concatenate(
        [jnp.full((_TAIL_DUP,), _DUMP, jnp.int32),
         labels[_NFULL * _CHUNK:]])
    pad = jnp.full((_LROWS - _NCHUNKS, _CHUNK), _DUMP, jnp.int32)
    lab2d = jnp.concatenate([lab_full, tail[None], pad], axis=0)

    zg = jnp.zeros((_STRIPE, _F), jnp.float32)
    zn = jnp.zeros((_STRIPE, 16), jnp.float32)
    ones = jnp.ones((_CHUNK, 16), jnp.float32)

    g_part, n_part, targets = _make_sc_segment_sum()(
        features, lab2d, labels, indexes, zg, zn, ones)
    loss = _tc_loss(inputs, g_part, n_part,
                    targets.reshape(_B, 1))
    return loss[0, 0]

# --- scband reference (transcript-rebuilt; emitter-appended) ---
"""Pipeline reference for scband-hybrid-memory-85298050498920 (READ-ONLY COPY).

The authoritative reference and input builder live on the scoring server;
editing this copy changes nothing except your own understanding.
"""

import jax, jax.numpy as jnp
import numpy as np

NUM_FEATURES = 64
NUM_MEMORY = 100000
NUM_LABELS = 5000
BATCH = 1024
TEMP = 0.05


def setup_inputs(seed: int = 0) -> dict:
    key = jax.random.key(seed)
    k1, k2, k3, k4 = jax.random.split(key, 4)
    inputs = jax.random.normal(k1, (BATCH, NUM_FEATURES), dtype=jnp.float32)
    indexes = jax.random.randint(k2, (BATCH,), 0, NUM_MEMORY, dtype=jnp.int32)
    feats = jax.random.normal(k3, (NUM_MEMORY, NUM_FEATURES), dtype=jnp.float32)
    features = feats / (jnp.linalg.norm(feats, axis=1, keepdims=True) + 1e-12)
    labels = jax.random.randint(k4, (NUM_MEMORY,), 0, NUM_LABELS, dtype=jnp.int32)
    return {"inputs": inputs, "indexes": indexes, "features": features, "labels": labels}


def reference(inputs, indexes, features, labels):
    # F.normalize(inputs, p=2, dim=1)
    x = inputs / jnp.maximum(jnp.linalg.norm(inputs, axis=1, keepdims=True), 1e-12)
    # HM.forward: similarity against the memory bank
    out = x @ features.T
    out = out / TEMP
    B = out.shape[0]
    targets = labels[indexes]
    # sim.index_add_(1, labels, out): sim[:, labels[j]] += out[:, j]
    sim = jax.ops.segment_sum(out.T, labels, num_segments=NUM_LABELS).T
    # nums.index_add_(1, labels, ones)
    nums = jax.ops.segment_sum(jnp.ones((NUM_MEMORY,), jnp.float32), labels, num_segments=NUM_LABELS)
    mask = (nums > 0).astype(jnp.float32)
    sim = sim / (mask * nums + (1.0 - mask))[None, :]
    # masked_softmax
    exps = jnp.exp(sim)
    masked_exps = exps * mask[None, :]
    masked_sums = jnp.sum(masked_exps, axis=1, keepdims=True) + 1e-06
    masked_sim = masked_exps / masked_sums
    logp = jnp.log(masked_sim + 1e-06)
    # F.nll_loss(logp, targets) with mean reduction
    loss = -jnp.mean(logp[jnp.arange(B), targets])
    return loss

if __name__ == "__main__":
    import jax
    _d = setup_inputs()
    print(jax.jit(kernel)(*tuple(_d.values())))

</pallas_src>

<mosaic_0001>
#map = affine_map<(d0, d1) -> (0, 0)>
#map1 = affine_map<(d0, d1) -> (0)>
module attributes {stable_mosaic.version = 14 : i64} {
  func.func @_sc_body(%arg0: i32, %arg1: i32, %arg2: memref<100000x64xf32, #tpu.memory_space<hbm>>, %arg3: memref<224x512xi32, #tpu.memory_space<hbm>>, %arg4: memref<100000xi32, #tpu.memory_space<hbm>>, %arg5: memref<1024xi32, #tpu.memory_space<hbm>>, %arg6: memref<320x64xf32, #tpu.memory_space<hbm>>, %arg7: memref<320x16xf32, #tpu.memory_space<hbm>>, %arg8: memref<512x16xf32, #tpu.memory_space<hbm>>, %arg9: memref<10240x64xf32, #tpu.memory_space<hbm>>, %arg10: memref<10240x16xf32, #tpu.memory_space<hbm>>, %arg11: memref<1024xi32, #tpu.memory_space<hbm>>, %arg12: memref<512x64xf32, #tpu.memory_space<vmem>>, %arg13: memref<512x64xf32, #tpu.memory_space<vmem>>, %arg14: memref<7x512xi32, #tpu.memory_space<vmem>>, %arg15: memref<512x16xf32, #tpu.memory_space<vmem>>, %arg16: memref<32xi32, #tpu.memory_space<vmem>>, %arg17: memref<32xi32, #tpu.memory_space<vmem>>, %arg18: memref<5120x64xf32, #tpu.memory_space<vmem_shared>>, %arg19: memref<5120x16xf32, #tpu.memory_space<vmem_shared>>, %arg20: memref<!tpu.dma_semaphore, #tpu.memory_space<semaphore_mem>>, %arg21: memref<!tpu.dma_semaphore, #tpu.memory_space<semaphore_mem>>, %arg22: memref<!tpu.dma_semaphore, #tpu.memory_space<semaphore_mem>>, %arg23: memref<!tpu.dma_semaphore, #tpu.memory_space<semaphore_mem>>) attributes {dimension_semantics = [#tpu.dimension_semantics<core_parallel>, #tpu.dimension_semantics<subcore_parallel>], iteration_bounds = array<i64: 2, 16>, scalar_prefetch = 0 : i64, scratch_operands = 12 : i64, tpu.core_type = #tpu.core_type<sc_vector_subcore>, window_params = [{transform_indices = #map}, {transform_indices = #map}, {transform_indices = #map1}, {transform_indices = #map1}, {transform_indices = #map}, {transform_indices = #map}, {transform_indices = #map}, {transform_indices = #map}, {transform_indices = #map}, {transform_indices = #map1}]} {
    %mul3A = arith.constant 2 : i32
    %mul3A_0 = arith.muli %arg1, %mul3A : i32
    %add3A = arith.addi %mul3A_0, %arg0 : i32
    %mul3A_1 = arith.constant 320 : i32
    %mul3A_2 = arith.muli %arg1, %mul3A_1 : i32
    "tpu.region"() ({
      %run_scoped3A = tpu.sem_alloc : memref<!tpu.dma_semaphore, #tpu.memory_space<semaphore_mem>>
      %dma_start3A_159 = arith.constant 0 : i32
      %dma_start3A_160 = tpu.memref_slice %arg18[%mul3A_2, %dma_start3A_159] : memref<5120x64xf32, #tpu.memory_space<vmem_shared>> -> memref<320x64xf32, #tpu.memory_space<vmem_shared>>
      tpu.enqueue_dma source(%arg6 : memref<320x64xf32, #tpu.memory_space<hbm>>) target(%dma_start3A_160 : memref<320x64xf32, #tpu.memory_space<vmem_shared>>) target_semaphore(%run_scoped3A : memref<!tpu.dma_semaphore, #tpu.memory_space<semaphore_mem>>)
      %dma_wait3A_161 = arith.constant 0 : i32
      %dma_wait3A_162 = tpu.memref_slice %arg18[%mul3A_2, %dma_wait3A_161] : memref<5120x64xf32, #tpu.memory_space<vmem_shared>> -> memref<320x64xf32, #tpu.memory_space<vmem_shared>>
      tpu.wait_dma2 semaphore(%run_scoped3A : memref<!tpu.dma_semaphore, #tpu.memory_space<semaphore_mem>>) src(%arg6 : memref<320x64xf32, #tpu.memory_space<hbm>>) dst(%dma_wait3A_162 : memref<320x64xf32, #tpu.memory_space<vmem_shared>>)
      tpu.yield
    }) : () -> ()
    %mul3A_3 = arith.constant 320 : i32
    %mul3A_4 = arith.muli %arg1, %mul3A_3 : i32
    "tpu.region"() ({
      %run_scoped3A = tpu.sem_alloc : memref<!tpu.dma_semaphore, #tpu.memory_space<semaphore_mem>>
      %dma_start3A_159 = arith.constant 0 : i32
      %dma_start3A_160 = tpu.memref_slice %arg19[%mul3A_4, %dma_start3A_159] : memref<5120x16xf32, #tpu.memory_space<vmem_shared>> -> memref<320x16xf32, #tpu.memory_space<vmem_shared>>
      tpu.enqueue_dma source(%arg7 : memref<320x16xf32, #tpu.memory_space<hbm>>) target(%dma_start3A_160 : memref<320x16xf32, #tpu.memory_space<vmem_shared>>) target_semaphore(%run_scoped3A : memref<!tpu.dma_semaphore, #tpu.memory_space<semaphore_mem>>)
      %dma_wait3A_161 = arith.constant 0 : i32
      %dma_wait3A_162 = tpu.memref_slice %arg19[%mul3A_4, %dma_wait3A_161] : memref<5120x16xf32, #tpu.memory_space<vmem_shared>> -> memref<320x16xf32, #tpu.memory_space<vmem_shared>>
      tpu.wait_dma2 semaphore(%run_scoped3A : memref<!tpu.dma_semaphore, #tpu.memory_space<semaphore_mem>>) src(%arg7 : memref<320x16xf32, #tpu.memory_space<hbm>>) dst(%dma_wait3A_162 : memref<320x16xf32, #tpu.memory_space<vmem_shared>>)
      tpu.yield
    }) : () -> ()
    "tpu.region"() ({
      %run_scoped3A = tpu.sem_alloc : memref<!tpu.dma_semaphore, #tpu.memory_space<semaphore_mem>>
      tpu.enqueue_dma source(%arg8 : memref<512x16xf32, #tpu.memory_space<hbm>>) target(%arg15 : memref<512x16xf32, #tpu.memory_space<vmem>>) target_semaphore(%run_scoped3A : memref<!tpu.dma_semaphore, #tpu.memory_space<semaphore_mem>>)
      tpu.wait_dma2 semaphore(%run_scoped3A : memref<!tpu.dma_semaphore, #tpu.memory_space<semaphore_mem>>) src(%arg8 : memref<512x16xf32, #tpu.memory_space<hbm>>) dst(%arg15 : memref<512x16xf32, #tpu.memory_space<vmem>>)
      tpu.yield
    }) : () -> ()
    %lt3A = arith.constant 4 : i32
    %lt3A_5 = arith.cmpi slt, %add3A, %lt3A : i32
    %jit3A = arith.constant 7 : i32
    %jit3A_6 = arith.constant 6 : i32
    %select_n3A = arith.select %lt3A_5, %jit3A, %jit3A_6 : i32
    %lt3A_7 = arith.constant 4 : i32
    %lt3A_8 = arith.cmpi slt, %add3A, %lt3A_7 : i32
    %mul3A_9 = arith.constant 7 : i32
    %mul3A_10 = arith.muli %add3A, %mul3A_9 : i32
    %sub3A = arith.constant 4 : i32
    %sub3A_11 = arith.subi %add3A, %sub3A : i32
    %mul3A_12 = arith.constant 6 : i32
    %mul3A_13 = arith.muli %sub3A_11, %mul3A_12 : i32
    %add3A_14 = arith.constant 28 : i32
    %add3A_15 = arith.addi %add3A_14, %mul3A_13 : i32
    %select_n3A_16 = arith.select %lt3A_8, %mul3A_10, %add3A_15 : i32
    "tpu.region"() ({
      %run_scoped3A = tpu.sem_alloc : memref<!tpu.dma_semaphore, #tpu.memory_space<semaphore_mem>>
      %dma_start3A_159 = arith.constant 0 : i32
      %dma_start3A_160 = tpu.memref_slice %arg3[%select_n3A_16, %dma_start3A_159] : memref<224x512xi32, #tpu.memory_space<hbm>> -> memref<7x512xi32, #tpu.memory_space<hbm>>
      %dma_start3A_161 = arith.constant 0 : i32
      %dma_start3A_162 = tpu.memref_slice %arg3[%select_n3A_16, %dma_start3A_161] : memref<224x512xi32, #tpu.memory_space<hbm>> -> memref<7x512xi32, #tpu.memory_space<hbm>>
      tpu.enqueue_dma source(%dma_start3A_162 : memref<7x512xi32, #tpu.memory_space<hbm>>) target(%arg14 : memref<7x512xi32, #tpu.memory_space<vmem>>) target_semaphore(%run_scoped3A : memref<!tpu.dma_semaphore, #tpu.memory_space<semaphore_mem>>)
      %dma_wait3A_163 = arith.constant 0 : i32
      %dma_wait3A_164 = tpu.memref_slice %arg3[%select_n3A_16, %dma_wait3A_163] : memref<224x512xi32, #tpu.memory_space<hbm>> -> memref<7x512xi32, #tpu.memory_space<hbm>>
      %dma_wait3A_165 = arith.constant 0 : i32
      %dma_wait3A_166 = tpu.memref_slice %arg3[%select_n3A_16, %dma_wait3A_165] : memref<224x512xi32, #tpu.memory_space<hbm>> -> memref<7x512xi32, #tpu.memory_space<hbm>>
      tpu.wait_dma2 semaphore(%run_scoped3A : memref<!tpu.dma_semaphore, #tpu.memory_space<semaphore_mem>>) src(%dma_wait3A_166 : memref<7x512xi32, #tpu.memory_space<hbm>>) dst(%arg14 : memref<7x512xi32, #tpu.memory_space<vmem>>)
      tpu.yield
    }) : () -> ()
    %barrier3A = arith.constant 0 : index
    tpu.barrier barrier_id(%barrier3A)
    %add3A_17 = arith.constant 0 : i32
    %add3A_18 = arith.addi %select_n3A_16, %add3A_17 : i32
    %eq3A = arith.constant 195 : i32
    %eq3A_19 = arith.cmpi eq, %add3A_18, %eq3A : i32
    %mul3A_20 = arith.constant 512 : i32
    %mul3A_21 = arith.muli %add3A_18, %mul3A_20 : i32
    %jit3A_22 = arith.constant 99488 : i32
    %select_n3A_23 = arith.select %eq3A_19, %jit3A_22, %mul3A_21 : i32
    %add3A_24 = arith.constant 1 : i32
    %add3A_25 = arith.addi %select_n3A_16, %add3A_24 : i32
    %eq3A_26 = arith.constant 195 : i32
    %eq3A_27 = arith.cmpi eq, %add3A_25, %eq3A_26 : i32
    %mul3A_28 = arith.constant 512 : i32
    %mul3A_29 = arith.muli %add3A_25, %mul3A_28 : i32
    %jit3A_30 = arith.constant 99488 : i32
    %select_n3A_31 = arith.select %eq3A_27, %jit3A_30, %mul3A_29 : i32
    %add3A_32 = arith.constant 2 : i32
    %add3A_33 = arith.addi %select_n3A_16, %add3A_32 : i32
    %eq3A_34 = arith.constant 195 : i32
    %eq3A_35 = arith.cmpi eq, %add3A_33, %eq3A_34 : i32
    %mul3A_36 = arith.constant 512 : i32
    %mul3A_37 = arith.muli %add3A_33, %mul3A_36 : i32
    %jit3A_38 = arith.constant 99488 : i32
    %select_n3A_39 = arith.select %eq3A_35, %jit3A_38, %mul3A_37 : i32
    %add3A_40 = arith.constant 3 : i32
    %add3A_41 = arith.addi %select_n3A_16, %add3A_40 : i32
    %eq3A_42 = arith.constant 195 : i32
    %eq3A_43 = arith.cmpi eq, %add3A_41, %eq3A_42 : i32
    %mul3A_44 = arith.constant 512 : i32
    %mul3A_45 = arith.muli %add3A_41, %mul3A_44 : i32
    %jit3A_46 = arith.constant 99488 : i32
    %select_n3A_47 = arith.select %eq3A_43, %jit3A_46, %mul3A_45 : i32
    %add3A_48 = arith.constant 4 : i32
    %add3A_49 = arith.addi %select_n3A_16, %add3A_48 : i32
    %eq3A_50 = arith.constant 195 : i32
    %eq3A_51 = arith.cmpi eq, %add3A_49, %eq3A_50 : i32
    %mul3A_52 = arith.constant 512 : i32
    %mul3A_53 = arith.muli %add3A_49, %mul3A_52 : i32
    %jit3A_54 = arith.constant 99488 : i32
    %select_n3A_55 = arith.select %eq3A_51, %jit3A_54, %mul3A_53 : i32
    %add3A_56 = arith.constant 5 : i32
    %add3A_57 = arith.addi %select_n3A_16, %add3A_56 : i32
    %eq3A_58 = arith.constant 195 : i32
    %eq3A_59 = arith.cmpi eq, %add3A_57, %eq3A_58 : i32
    %mul3A_60 = arith.constant 512 : i32
    %mul3A_61 = arith.muli %add3A_57, %mul3A_60 : i32
    %jit3A_62 = arith.constant 99488 : i32
    %select_n3A_63 = arith.select %eq3A_59, %jit3A_62, %mul3A_61 : i32
    %add3A_64 = arith.constant 6 : i32
    %add3A_65 = arith.addi %select_n3A_16, %add3A_64 : i32
    %eq3A_66 = arith.constant 195 : i32
    %eq3A_67 = arith.cmpi eq, %add3A_65, %eq3A_66 : i32
    %mul3A_68 = arith.constant 512 : i32
    %mul3A_69 = arith.muli %add3A_65, %mul3A_68 : i32
    %jit3A_70 = arith.constant 99488 : i32
    %select_n3A_71 = arith.select %eq3A_67, %jit3A_70, %mul3A_69 : i32
    %dma_start3A = arith.constant 0 : i32
    %dma_start3A_72 = tpu.memref_slice %arg2[%select_n3A_23, %dma_start3A] : memref<100000x64xf32, #tpu.memory_space<hbm>> -> memref<512x64xf32, #tpu.memory_space<hbm>>
    %dma_start3A_73 = arith.constant 0 : i32
    %dma_start3A_74 = tpu.memref_slice %arg2[%select_n3A_23, %dma_start3A_73] : memref<100000x64xf32, #tpu.memory_space<hbm>> -> memref<512x64xf32, #tpu.memory_space<hbm>>
    tpu.enqueue_dma source(%dma_start3A_74 : memref<512x64xf32, #tpu.memory_space<hbm>>) target(%arg12 : memref<512x64xf32, #tpu.memory_space<vmem>>) target_semaphore(%arg20 : memref<!tpu.dma_semaphore, #tpu.memory_space<semaphore_mem>>)
    %gt3A = arith.constant 0 : i32
    %gt3A_75 = arith.cmpi sgt, %select_n3A, %gt3A : i32
    %convert_element_type3A = arith.extui %gt3A_75 : i1 to i32
    %cond3A = arith.constant 0 : i32
    %cond3A_76 = arith.cmpi ne, %convert_element_type3A, %cond3A : i32
    scf.if %cond3A_76 {
      %gt3A_159 = arith.constant 1 : i32
      %gt3A_160 = arith.cmpi sgt, %select_n3A, %gt3A_159 : i32
      %convert_element_type3A_161 = arith.extui %gt3A_160 : i1 to i32
      %cond3A_162 = arith.constant 0 : i32
      %cond3A_163 = arith.cmpi ne, %convert_element_type3A_161, %cond3A_162 : i32
      scf.if %cond3A_163 {
        %dma_start3A_175 = arith.constant 0 : i32
        %dma_start3A_176 = tpu.memref_slice %arg2[%select_n3A_31, %dma_start3A_175] : memref<100000x64xf32, #tpu.memory_space<hbm>> -> memref<512x64xf32, #tpu.memory_space<hbm>>
        %dma_start3A_177 = arith.constant 0 : i32
        %dma_start3A_178 = tpu.memref_slice %arg2[%select_n3A_31, %dma_start3A_177] : memref<100000x64xf32, #tpu.memory_space<hbm>> -> memref<512x64xf32, #tpu.memory_space<hbm>>
        tpu.enqueue_dma source(%dma_start3A_178 : memref<512x64xf32, #tpu.memory_space<hbm>>) target(%arg13 : memref<512x64xf32, #tpu.memory_space<vmem>>) target_semaphore(%arg21 : memref<!tpu.dma_semaphore, #tpu.memory_space<semaphore_mem>>)
      } else {
      }
      %dma_wait3A_164 = arith.constant 0 : i32
      %dma_wait3A_165 = tpu.memref_slice %arg2[%select_n3A_23, %dma_wait3A_164] : memref<100000x64xf32, #tpu.memory_space<hbm>> -> memref<512x64xf32, #tpu.memory_space<hbm>>
      %dma_wait3A_166 = arith.constant 0 : i32
      %dma_wait3A_167 = tpu.memref_slice %arg2[%select_n3A_23, %dma_wait3A_166] : memref<100000x64xf32, #tpu.memory_space<hbm>> -> memref<512x64xf32, #tpu.memory_space<hbm>>
      tpu.wait_dma2 semaphore(%arg20 : memref<!tpu.dma_semaphore, #tpu.memory_space<semaphore_mem>>) src(%dma_wait3A_167 : memref<512x64xf32, #tpu.memory_space<hbm>>) dst(%arg12 : memref<512x64xf32, #tpu.memory_space<vmem>>)
      %dma_start3A_168 = arith.constant 0 : i32
      %dma_start3A_169 = arith.constant 0 : i32
      %dma_start3A_170 = tpu.memref_slice %arg14[%dma_start3A_168, %dma_start3A_169] : memref<7x512xi32, #tpu.memory_space<vmem>> -> memref<1x512xi32, #tpu.memory_space<vmem>>
      %dma_start3A_171 = tpu.memref_squeeze %dma_start3A_170 : memref<1x512xi32, #tpu.memory_space<vmem>> -> memref<512xi32, #tpu.memory_space<vmem>>
      %dma_start3A_172 = arith.constant 0 : i32
      %dma_start3A_173 = arith.constant 0 : i32
      %dma_start3A_174 = tpu.memref_slice %arg19[%dma_start3A_172, %dma_start3A_173] : memref<5120x16xf32, #tpu.memory_space<vmem_shared>> -> memref<5120x16xf32, #tpu.memory_space<vmem_shared>>
      tpu.enqueue_indirect_dma source(%arg15 : memref<512x16xf32, #tpu.memory_space<vmem>>) target(%dma_start3A_174 : memref<5120x16xf32, #tpu.memory_space<vmem_shared>>) offsets(%dma_start3A_171 : memref<512xi32, #tpu.memory_space<vmem>>) semaphore(%arg23 : memref<!tpu.dma_semaphore, #tpu.memory_space<semaphore_mem>>) {add = true}
      %run_scoped3A = arith.constant 0 : i32
      "tpu.region"() ({
        %run_scoped3A_175 = tpu.sem_alloc : memref<!tpu.dma_semaphore, #tpu.memory_space<semaphore_mem>>
        %dma_start3A_176 = arith.constant 0 : i32
        %dma_start3A_177 = tpu.memref_slice %arg14[%run_scoped3A, %dma_start3A_176] : memref<7x512xi32, #tpu.memory_space<vmem>> -> memref<1x512xi32, #tpu.memory_space<vmem>>
        %dma_start3A_178 = tpu.memref_squeeze %dma_start3A_177 : memref<1x512xi32, #tpu.memory_space<vmem>> -> memref<512xi32, #tpu.memory_space<vmem>>
        %dma_start3A_179 = arith.constant 0 : i32
        %dma_start3A_180 = arith.constant 0 : i32
        %dma_start3A_181 = tpu.memref_slice %arg18[%dma_start3A_179, %dma_start3A_180] : memref<5120x64xf32, #tpu.memory_space<vmem_shared>> -> memref<5120x64xf32, #tpu.memory_space<vmem_shared>>
        tpu.enqueue_indirect_dma source(%arg12 : memref<512x64xf32, #tpu.memory_space<vmem>>) target(%dma_start3A_181 : memref<5120x64xf32, #tpu.memory_space<vmem_shared>>) offsets(%dma_start3A_178 : memref<512xi32, #tpu.memory_space<vmem>>) semaphore(%run_scoped3A_175 : memref<!tpu.dma_semaphore, #tpu.memory_space<semaphore_mem>>) {add = true}
        %dma_wait3A_182 = arith.constant 0 : i32
        %dma_wait3A_183 = tpu.memref_slice %arg14[%run_scoped3A, %dma_wait3A_182] : memref<7x512xi32, #tpu.memory_space<vmem>> -> memref<1x512xi32, #tpu.memory_space<vmem>>
        %dma_wait3A_184 = tpu.memref_squeeze %dma_wait3A_183 : memref<1x512xi32, #tpu.memory_space<vmem>> -> memref<512xi32, #tpu.memory_space<vmem>>
        %dma_wait3A_185 = arith.constant 0 : i32
        %dma_wait3A_186 = arith.constant 0 : i32
        %dma_wait3A_187 = tpu.memref_slice %arg18[%dma_wait3A_185, %dma_wait3A_186] : memref<5120x64xf32, #tpu.memory_space<vmem_shared>> -> memref<5120x64xf32, #tpu.memory_space<vmem_shared>>
        tpu.wait_indirect_dma semaphore(%run_scoped3A_175 : memref<!tpu.dma_semaphore, #tpu.memory_space<semaphore_mem>>) src(%arg12 : memref<512x64xf32, #tpu.memory_space<vmem>>) dst(%dma_wait3A_187 : memref<5120x64xf32, #tpu.memory_space<vmem_shared>>)
        tpu.yield
      }) : () -> ()
    } else {
    }
    %gt3A_77 = arith.constant 1 : i32
    %gt3A_78 = arith.cmpi sgt, %select_n3A, %gt3A_77 : i32
    %convert_element_type3A_79 = arith.extui %gt3A_78 : i1 to i32
    %cond3A_80 = arith.constant 0 : i32
    %cond3A_81 = arith.cmpi ne, %convert_element_type3A_79, %cond3A_80 : i32
    scf.if %cond3A_81 {
      %gt3A_159 = arith.constant 2 : i32
      %gt3A_160 = arith.cmpi sgt, %select_n3A, %gt3A_159 : i32
      %convert_element_type3A_161 = arith.extui %gt3A_160 : i1 to i32
      %cond3A_162 = arith.constant 0 : i32
      %cond3A_163 = arith.cmpi ne, %convert_element_type3A_161, %cond3A_162 : i32
      scf.if %cond3A_163 {
        %dma_start3A_175 = arith.constant 0 : i32
        %dma_start3A_176 = tpu.memref_slice %arg2[%select_n3A_39, %dma_start3A_175] : memref<100000x64xf32, #tpu.memory_space<hbm>> -> memref<512x64xf32, #tpu.memory_space<hbm>>
        %dma_start3A_177 = arith.constant 0 : i32
        %dma_start3A_178 = tpu.memref_slice %arg2[%select_n3A_39, %dma_start3A_177] : memref<100000x64xf32, #tpu.memory_space<hbm>> -> memref<512x64xf32, #tpu.memory_space<hbm>>
        tpu.enqueue_dma source(%dma_start3A_178 : memref<512x64xf32, #tpu.memory_space<hbm>>) target(%arg12 : memref<512x64xf32, #tpu.memory_space<vmem>>) target_semaphore(%arg20 : memref<!tpu.dma_semaphore, #tpu.memory_space<semaphore_mem>>)
      } else {
      }
      %dma_wait3A_164 = arith.constant 0 : i32
      %dma_wait3A_165 = tpu.memref_slice %arg2[%select_n3A_31, %dma_wait3A_164] : memref<100000x64xf32, #tpu.memory_space<hbm>> -> memref<512x64xf32, #tpu.memory_space<hbm>>
      %dma_wait3A_166 = arith.constant 0 : i32
      %dma_wait3A_167 = tpu.memref_slice %arg2[%select_n3A_31, %dma_wait3A_166] : memref<100000x64xf32, #tpu.memory_space<hbm>> -> memref<512x64xf32, #tpu.memory_space<hbm>>
      tpu.wait_dma2 semaphore(%arg21 : memref<!tpu.dma_semaphore, #tpu.memory_space<semaphore_mem>>) src(%dma_wait3A_167 : memref<512x64xf32, #tpu.memory_space<hbm>>) dst(%arg13 : memref<512x64xf32, #tpu.memory_space<vmem>>)
      %dma_start3A_168 = arith.constant 1 : i32
      %dma_start3A_169 = arith.constant 0 : i32
      %dma_start3A_170 = tpu.memref_slice %arg14[%dma_start3A_168, %dma_start3A_169] : memref<7x512xi32, #tpu.memory_space<vmem>> -> memref<1x512xi32, #tpu.memory_space<vmem>>
      %dma_start3A_171 = tpu.memref_squeeze %dma_start3A_170 : memref<1x512xi32, #tpu.memory_space<vmem>> -> memref<512xi32, #tpu.memory_space<vmem>>
      %dma_start3A_172 = arith.constant 0 : i32
      %dma_start3A_173 = arith.constant 0 : i32
      %dma_start3A_174 = tpu.memref_slice %arg19[%dma_start3A_172, %dma_start3A_173] : memref<5120x16xf32, #tpu.memory_space<vmem_shared>> -> memref<5120x16xf32, #tpu.memory_space<vmem_shared>>
      tpu.enqueue_indirect_dma source(%arg15 : memref<512x16xf32, #tpu.memory_space<vmem>>) target(%dma_start3A_174 : memref<5120x16xf32, #tpu.memory_space<vmem_shared>>) offsets(%dma_start3A_171 : memref<512xi32, #tpu.memory_space<vmem>>) semaphore(%arg23 : memref<!tpu.dma_semaphore, #tpu.memory_space<semaphore_mem>>) {add = true}
      %run_scoped3A = arith.constant 1 : i32
      "tpu.region"() ({
        %run_scoped3A_175 = tpu.sem_alloc : memref<!tpu.dma_semaphore, #tpu.memory_space<semaphore_mem>>
        %dma_start3A_176 = arith.constant 0 : i32
        %dma_start3A_177 = tpu.memref_slice %arg14[%run_scoped3A, %dma_start3A_176] : memref<7x512xi32, #tpu.memory_space<vmem>> -> memref<1x512xi32, #tpu.memory_space<vmem>>
        %dma_start3A_178 = tpu.memref_squeeze %dma_start3A_177 : memref<1x512xi32, #tpu.memory_space<vmem>> -> memref<512xi32, #tpu.memory_space<vmem>>
        %dma_start3A_179 = arith.constant 0 : i32
        %dma_start3A_180 = arith.constant 0 : i32
        %dma_start3A_181 = tpu.memref_slice %arg18[%dma_start3A_179, %dma_start3A_180] : memref<5120x64xf32, #tpu.memory_space<vmem_shared>> -> memref<5120x64xf32, #tpu.memory_space<vmem_shared>>
        tpu.enqueue_indirect_dma source(%arg13 : memref<512x64xf32, #tpu.memory_space<vmem>>) target(%dma_start3A_181 : memref<5120x64xf32, #tpu.memory_space<vmem_shared>>) offsets(%dma_start3A_178 : memref<512xi32, #tpu.memory_space<vmem>>) semaphore(%run_scoped3A_175 : memref<!tpu.dma_semaphore, #tpu.memory_space<semaphore_mem>>) {add = true}
        %dma_wait3A_182 = arith.constant 0 : i32
        %dma_wait3A_183 = tpu.memref_slice %arg14[%run_scoped3A, %dma_wait3A_182] : memref<7x512xi32, #tpu.memory_space<vmem>> -> memref<1x512xi32, #tpu.memory_space<vmem>>
        %dma_wait3A_184 = tpu.memref_squeeze %dma_wait3A_183 : memref<1x512xi32, #tpu.memory_space<vmem>> -> memref<512xi32, #tpu.memory_space<vmem>>
        %dma_wait3A_185 = arith.constant 0 : i32
        %dma_wait3A_186 = arith.constant 0 : i32
        %dma_wait3A_187 = tpu.memref_slice %arg18[%dma_wait3A_185, %dma_wait3A_186] : memref<5120x64xf32, #tpu.memory_space<vmem_shared>> -> memref<5120x64xf32, #tpu.memory_space<vmem_shared>>
        tpu.wait_indirect_dma semaphore(%run_scoped3A_175 : memref<!tpu.dma_semaphore, #tpu.memory_space<semaphore_mem>>) src(%arg13 : memref<512x64xf32, #tpu.memory_space<vmem>>) dst(%dma_wait3A_187 : memref<5120x64xf32, #tpu.memory_space<vmem_shared>>)
        tpu.yield
      }) : () -> ()
    } else {
    }
    %gt3A_82 = arith.constant 2 : i32
    %gt3A_83 = arith.cmpi sgt, %select_n3A, %gt3A_82 : i32
    %convert_element_type3A_84 = arith.extui %gt3A_83 : i1 to i32
    %cond3A_85 = arith.constant 0 : i32
    %cond3A_86 = arith.cmpi ne, %convert_element_type3A_84, %cond3A_85 : i32
    scf.if %cond3A_86 {
      %gt3A_159 = arith.constant 3 : i32
      %gt3A_160 = arith.cmpi sgt, %select_n3A, %gt3A_159 : i32
      %convert_element_type3A_161 = arith.extui %gt3A_160 : i1 to i32
      %cond3A_162 = arith.constant 0 : i32
      %cond3A_163 = arith.cmpi ne, %convert_element_type3A_161, %cond3A_162 : i32
      scf.if %cond3A_163 {
        %dma_start3A_175 = arith.constant 0 : i32
        %dma_start3A_176 = tpu.memref_slice %arg2[%select_n3A_47, %dma_start3A_175] : memref<100000x64xf32, #tpu.memory_space<hbm>> -> memref<512x64xf32, #tpu.memory_space<hbm>>
        %dma_start3A_177 = arith.constant 0 : i32
        %dma_start3A_178 = tpu.memref_slice %arg2[%select_n3A_47, %dma_start3A_177] : memref<100000x64xf32, #tpu.memory_space<hbm>> -> memref<512x64xf32, #tpu.memory_space<hbm>>
        tpu.enqueue_dma source(%dma_start3A_178 : memref<512x64xf32, #tpu.memory_space<hbm>>) target(%arg13 : memref<512x64xf32, #tpu.memory_space<vmem>>) target_semaphore(%arg21 : memref<!tpu.dma_semaphore, #tpu.memory_space<semaphore_mem>>)
      } else {
      }
      %dma_wait3A_164 = arith.constant 0 : i32
      %dma_wait3A_165 = tpu.memref_slice %arg2[%select_n3A_39, %dma_wait3A_164] : memref<100000x64xf32, #tpu.memory_space<hbm>> -> memref<512x64xf32, #tpu.memory_space<hbm>>
      %dma_wait3A_166 = arith.constant 0 : i32
      %dma_wait3A_167 = tpu.memref_slice %arg2[%select_n3A_39, %dma_wait3A_166] : memref<100000x64xf32, #tpu.memory_space<hbm>> -> memref<512x64xf32, #tpu.memory_space<hbm>>
      tpu.wait_dma2 semaphore(%arg20 : memref<!tpu.dma_semaphore, #tpu.memory_space<semaphore_mem>>) src(%dma_wait3A_167 : memref<512x64xf32, #tpu.memory_space<hbm>>) dst(%arg12 : memref<512x64xf32, #tpu.memory_space<vmem>>)
      %dma_start3A_168 = arith.constant 2 : i32
      %dma_start3A_169 = arith.constant 0 : i32
      %dma_start3A_170 = tpu.memref_slice %arg14[%dma_start3A_168, %dma_start3A_169] : memref<7x512xi32, #tpu.memory_space<vmem>> -> memref<1x512xi32, #tpu.memory_space<vmem>>
      %dma_start3A_171 = tpu.memref_squeeze %dma_start3A_170 : memref<1x512xi32, #tpu.memory_space<vmem>> -> memref<512xi32, #tpu.memory_space<vmem>>
      %dma_start3A_172 = arith.constant 0 : i32
      %dma_start3A_173 = arith.constant 0 : i32
      %dma_start3A_174 = tpu.memref_slice %arg19[%dma_start3A_172, %dma_start3A_173] : memref<5120x16xf32, #tpu.memory_space<vmem_shared>> -> memref<5120x16xf32, #tpu.memory_space<vmem_shared>>
      tpu.enqueue_indirect_dma source(%arg15 : memref<512x16xf32, #tpu.memory_space<vmem>>) target(%dma_start3A_174 : memref<5120x16xf32, #tpu.memory_space<vmem_shared>>) offsets(%dma_start3A_171 : memref<512xi32, #tpu.memory_space<vmem>>) semaphore(%arg23 : memref<!tpu.dma_semaphore, #tpu.memory_space<semaphore_mem>>) {add = true}
      %run_scoped3A = arith.constant 2 : i32
      "tpu.region"() ({
        %run_scoped3A_175 = tpu.sem_alloc : memref<!tpu.dma_semaphore, #tpu.memory_space<semaphore_mem>>
        %dma_start3A_176 = arith.constant 0 : i32
        %dma_start3A_177 = tpu.memref_slice %arg14[%run_scoped3A, %dma_start3A_176] : memref<7x512xi32, #tpu.memory_space<vmem>> -> memref<1x512xi32, #tpu.memory_space<vmem>>
        %dma_start3A_178 = tpu.memref_squeeze %dma_start3A_177 : memref<1x512xi32, #tpu.memory_space<vmem>> -> memref<512xi32, #tpu.memory_space<vmem>>
        %dma_start3A_179 = arith.constant 0 : i32
        %dma_start3A_180 = arith.constant 0 : i32
        %dma_start3A_181 = tpu.memref_slice %arg18[%dma_start3A_179, %dma_start3A_180] : memref<5120x64xf32, #tpu.memory_space<vmem_shared>> -> memref<5120x64xf32, #tpu.memory_space<vmem_shared>>
        tpu.enqueue_indirect_dma source(%arg12 : memref<512x64xf32, #tpu.memory_space<vmem>>) target(%dma_start3A_181 : memref<5120x64xf32, #tpu.memory_space<vmem_shared>>) offsets(%dma_start3A_178 : memref<512xi32, #tpu.memory_space<vmem>>) semaphore(%run_scoped3A_175 : memref<!tpu.dma_semaphore, #tpu.memory_space<semaphore_mem>>) {add = true}
        %dma_wait3A_182 = arith.constant 0 : i32
        %dma_wait3A_183 = tpu.memref_slice %arg14[%run_scoped3A, %dma_wait3A_182] : memref<7x512xi32, #tpu.memory_space<vmem>> -> memref<1x512xi32, #tpu.memory_space<vmem>>
        %dma_wait3A_184 = tpu.memref_squeeze %dma_wait3A_183 : memref<1x512xi32, #tpu.memory_space<vmem>> -> memref<512xi32, #tpu.memory_space<vmem>>
        %dma_wait3A_185 = arith.constant 0 : i32
        %dma_wait3A_186 = arith.constant 0 : i32
        %dma_wait3A_187 = tpu.memref_slice %arg18[%dma_wait3A_185, %dma_wait3A_186] : memref<5120x64xf32, #tpu.memory_space<vmem_shared>> -> memref<5120x64xf32, #tpu.memory_space<vmem_shared>>
        tpu.wait_indirect_dma semaphore(%run_scoped3A_175 : memref<!tpu.dma_semaphore, #tpu.memory_space<semaphore_mem>>) src(%arg12 : memref<512x64xf32, #tpu.memory_space<vmem>>) dst(%dma_wait3A_187 : memref<5120x64xf32, #tpu.memory_space<vmem_shared>>)
        tpu.yield
      }) : () -> ()
    } else {
    }
    %gt3A_87 = arith.constant 3 : i32
    %gt3A_88 = arith.cmpi sgt, %select_n3A, %gt3A_87 : i32
    %convert_element_type3A_89 = arith.extui %gt3A_88 : i1 to i32
    %cond3A_90 = arith.constant 0 : i32
    %cond3A_91 = arith.cmpi ne, %convert_element_type3A_89, %cond3A_90 : i32
    scf.if %cond3A_91 {
      %gt3A_159 = arith.constant 4 : i32
      %gt3A_160 = arith.cmpi sgt, %select_n3A, %gt3A_159 : i32
      %convert_element_type3A_161 = arith.extui %gt3A_160 : i1 to i32
      %cond3A_162 = arith.constant 0 : i32
      %cond3A_163 = arith.cmpi ne, %convert_element_type3A_161, %cond3A_162 : i32
      scf.if %cond3A_163 {
        %dma_start3A_175 = arith.constant 0 : i32
        %dma_start3A_176 = tpu.memref_slice %arg2[%select_n3A_55, %dma_start3A_175] : memref<100000x64xf32, #tpu.memory_space<hbm>> -> memref<512x64xf32, #tpu.memory_space<hbm>>
        %dma_start3A_177 = arith.constant 0 : i32
        %dma_start3A_178 = tpu.memref_slice %arg2[%select_n3A_55, %dma_start3A_177] : memref<100000x64xf32, #tpu.memory_space<hbm>> -> memref<512x64xf32, #tpu.memory_space<hbm>>
        tpu.enqueue_dma source(%dma_start3A_178 : memref<512x64xf32, #tpu.memory_space<hbm>>) target(%arg12 : memref<512x64xf32, #tpu.memory_space<vmem>>) target_semaphore(%arg20 : memref<!tpu.dma_semaphore, #tpu.memory_space<semaphore_mem>>)
      } else {
      }
      %dma_wait3A_164 = arith.constant 0 : i32
      %dma_wait3A_165 = tpu.memref_slice %arg2[%select_n3A_47, %dma_wait3A_164] : memref<100000x64xf32, #tpu.memory_space<hbm>> -> memref<512x64xf32, #tpu.memory_space<hbm>>
      %dma_wait3A_166 = arith.constant 0 : i32
      %dma_wait3A_167 = tpu.memref_slice %arg2[%select_n3A_47, %dma_wait3A_166] : memref<100000x64xf32, #tpu.memory_space<hbm>> -> memref<512x64xf32, #tpu.memory_space<hbm>>
      tpu.wait_dma2 semaphore(%arg21 : memref<!tpu.dma_semaphore, #tpu.memory_space<semaphore_mem>>) src(%dma_wait3A_167 : memref<512x64xf32, #tpu.memory_space<hbm>>) dst(%arg13 : memref<512x64xf32, #tpu.memory_space<vmem>>)
      %dma_start3A_168 = arith.constant 3 : i32
      %dma_start3A_169 = arith.constant 0 : i32
      %dma_start3A_170 = tpu.memref_slice %arg14[%dma_start3A_168, %dma_start3A_169] : memref<7x512xi32, #tpu.memory_space<vmem>> -> memref<1x512xi32, #tpu.memory_space<vmem>>
      %dma_start3A_171 = tpu.memref_squeeze %dma_start3A_170 : memref<1x512xi32, #tpu.memory_space<vmem>> -> memref<512xi32, #tpu.memory_space<vmem>>
      %dma_start3A_172 = arith.constant 0 : i32
      %dma_start3A_173 = arith.constant 0 : i32
      %dma_start3A_174 = tpu.memref_slice %arg19[%dma_start3A_172, %dma_start3A_173] : memref<5120x16xf32, #tpu.memory_space<vmem_shared>> -> memref<5120x16xf32, #tpu.memory_space<vmem_shared>>
      tpu.enqueue_indirect_dma source(%arg15 : memref<512x16xf32, #tpu.memory_space<vmem>>) target(%dma_start3A_174 : memref<5120x16xf32, #tpu.memory_space<vmem_shared>>) offsets(%dma_start3A_171 : memref<512xi32, #tpu.memory_space<vmem>>) semaphore(%arg23 : memref<!tpu.dma_semaphore, #tpu.memory_space<semaphore_mem>>) {add = true}
      %run_scoped3A = arith.constant 3 : i32
      "tpu.region"() ({
        %run_scoped3A_175 = tpu.sem_alloc : memref<!tpu.dma_semaphore, #tpu.memory_space<semaphore_mem>>
        %dma_start3A_176 = arith.constant 0 : i32
        %dma_start3A_177 = tpu.memref_slice %arg14[%run_scoped3A, %dma_start3A_176] : memref<7x512xi32, #tpu.memory_space<vmem>> -> memref<1x512xi32, #tpu.memory_space<vmem>>
        %dma_start3A_178 = tpu.memref_squeeze %dma_start3A_177 : memref<1x512xi32, #tpu.memory_space<vmem>> -> memref<512xi32, #tpu.memory_space<vmem>>
        %dma_start3A_179 = arith.constant 0 : i32
        %dma_start3A_180 = arith.constant 0 : i32
        %dma_start3A_181 = tpu.memref_slice %arg18[%dma_start3A_179, %dma_start3A_180] : memref<5120x64xf32, #tpu.memory_space<vmem_shared>> -> memref<5120x64xf32, #tpu.memory_space<vmem_shared>>
        tpu.enqueue_indirect_dma source(%arg13 : memref<512x64xf32, #tpu.memory_space<vmem>>) target(%dma_start3A_181 : memref<5120x64xf32, #tpu.memory_space<vmem_shared>>) offsets(%dma_start3A_178 : memref<512xi32, #tpu.memory_space<vmem>>) semaphore(%run_scoped3A_175 : memref<!tpu.dma_semaphore, #tpu.memory_space<semaphore_mem>>) {add = true}
        %dma_wait3A_182 = arith.constant 0 : i32
        %dma_wait3A_183 = tpu.memref_slice %arg14[%run_scoped3A, %dma_wait3A_182] : memref<7x512xi32, #tpu.memory_space<vmem>> -> memref<1x512xi32, #tpu.memory_space<vmem>>
        %dma_wait3A_184 = tpu.memref_squeeze %dma_wait3A_183 : memref<1x512xi32, #tpu.memory_space<vmem>> -> memref<512xi32, #tpu.memory_space<vmem>>
        %dma_wait3A_185 = arith.constant 0 : i32
        %dma_wait3A_186 = arith.constant 0 : i32
        %dma_wait3A_187 = tpu.memref_slice %arg18[%dma_wait3A_185, %dma_wait3A_186] : memref<5120x64xf32, #tpu.memory_space<vmem_shared>> -> memref<5120x64xf32, #tpu.memory_space<vmem_shared>>
        tpu.wait_indirect_dma semaphore(%run_scoped3A_175 : memref<!tpu.dma_semaphore, #tpu.memory_space<semaphore_mem>>) src(%arg13 : memref<512x64xf32, #tpu.memory_space<vmem>>) dst(%dma_wait3A_187 : memref<5120x64xf32, #tpu.memory_space<vmem_shared>>)
        tpu.yield
      }) : () -> ()
    } else {
    }
    %gt3A_92 = arith.constant 4 : i32
    %gt3A_93 = arith.cmpi sgt, %select_n3A, %gt3A_92 : i32
    %convert_element_type3A_94 = arith.extui %gt3A_93 : i1 to i32
    %cond3A_95 = arith.constant 0 : i32
    %cond3A_96 = arith.cmpi ne, %convert_element_type3A_94, %cond3A_95 : i32
    scf.if %cond3A_96 {
      %gt3A_159 = arith.constant 5 : i32
      %gt3A_160 = arith.cmpi sgt, %select_n3A, %gt3A_159 : i32
      %convert_element_type3A_161 = arith.extui %gt3A_160 : i1 to i32
      %cond3A_162 = arith.constant 0 : i32
      %cond3A_163 = arith.cmpi ne, %convert_element_type3A_161, %cond3A_162 : i32
      scf.if %cond3A_163 {
        %dma_start3A_175 = arith.constant 0 : i32
        %dma_start3A_176 = tpu.memref_slice %arg2[%select_n3A_63, %dma_start3A_175] : memref<100000x64xf32, #tpu.memory_space<hbm>> -> memref<512x64xf32, #tpu.memory_space<hbm>>
        %dma_start3A_177 = arith.constant 0 : i32
        %dma_start3A_178 = tpu.memref_slice %arg2[%select_n3A_63, %dma_start3A_177] : memref<100000x64xf32, #tpu.memory_space<hbm>> -> memref<512x64xf32, #tpu.memory_space<hbm>>
        tpu.enqueue_dma source(%dma_start3A_178 : memref<512x64xf32, #tpu.memory_space<hbm>>) target(%arg13 : memref<512x64xf32, #tpu.memory_space<vmem>>) target_semaphore(%arg21 : memref<!tpu.dma_semaphore, #tpu.memory_space<semaphore_mem>>)
      } else {
      }
      %dma_wait3A_164 = arith.constant 0 : i32
      %dma_wait3A_165 = tpu.memref_slice %arg2[%select_n3A_55, %dma_wait3A_164] : memref<100000x64xf32, #tpu.memory_space<hbm>> -> memref<512x64xf32, #tpu.memory_space<hbm>>
      %dma_wait3A_166 = arith.constant 0 : i32
      %dma_wait3A_167 = tpu.memref_slice %arg2[%select_n3A_55, %dma_wait3A_166] : memref<100000x64xf32, #tpu.memory_space<hbm>> -> memref<512x64xf32, #tpu.memory_space<hbm>>
      tpu.wait_dma2 semaphore(%arg20 : memref<!tpu.dma_semaphore, #tpu.memory_space<semaphore_mem>>) src(%dma_wait3A_167 : memref<512x64xf32, #tpu.memory_space<hbm>>) dst(%arg12 : memref<512x64xf32, #tpu.memory_space<vmem>>)
      %dma_start3A_168 = arith.constant 4 : i32
      %dma_start3A_169 = arith.constant 0 : i32
      %dma_start3A_170 = tpu.memref_slice %arg14[%dma_start3A_168, %dma_start3A_169] : memref<7x512xi32, #tpu.memory_space<vmem>> -> memref<1x512xi32, #tpu.memory_space<vmem>>
      %dma_start3A_171 = tpu.memref_squeeze %dma_start3A_170 : memref<1x512xi32, #tpu.memory_space<vmem>> -> memref<512xi32, #tpu.memory_space<vmem>>
      %dma_start3A_172 = arith.constant 0 : i32
      %dma_start3A_173 = arith.constant 0 : i32
      %dma_start3A_174 = tpu.memref_slice %arg19[%dma_start3A_172, %dma_start3A_173] : memref<5120x16xf32, #tpu.memory_space<vmem_shared>> -> memref<5120x16xf32, #tpu.memory_space<vmem_shared>>
      tpu.enqueue_indirect_dma source(%arg15 : memref<512x16xf32, #tpu.memory_space<vmem>>) target(%dma_start3A_174 : memref<5120x16xf32, #tpu.memory_space<vmem_shared>>) offsets(%dma_start3A_171 : memref<512xi32, #tpu.memory_space<vmem>>) semaphore(%arg23 : memref<!tpu.dma_semaphore, #tpu.memory_space<semaphore_mem>>) {add = true}
      %run_scoped3A = arith.constant 4 : i32
      "tpu.region"() ({
        %run_scoped3A_175 = tpu.sem_alloc : memref<!tpu.dma_semaphore, #tpu.memory_space<semaphore_mem>>
        %dma_start3A_176 = arith.constant 0 : i32
        %dma_start3A_177 = tpu.memref_slice %arg14[%run_scoped3A, %dma_start3A_176] : memref<7x512xi32, #tpu.memory_space<vmem>> -> memref<1x512xi32, #tpu.memory_space<vmem>>
        %dma_start3A_178 = tpu.memref_squeeze %dma_start3A_177 : memref<1x512xi32, #tpu.memory_space<vmem>> -> memref<512xi32, #tpu.memory_space<vmem>>
        %dma_start3A_179 = arith.constant 0 : i32
        %dma_start3A_180 = arith.constant 0 : i32
        %dma_start3A_181 = tpu.memref_slice %arg18[%dma_start3A_179, %dma_start3A_180] : memref<5120x64xf32, #tpu.memory_space<vmem_shared>> -> memref<5120x64xf32, #tpu.memory_space<vmem_shared>>
        tpu.enqueue_indirect_dma source(%arg12 : memref<512x64xf32, #tpu.memory_space<vmem>>) target(%dma_start3A_181 : memref<5120x64xf32, #tpu.memory_space<vmem_shared>>) offsets(%dma_start3A_178 : memref<512xi32, #tpu.memory_space<vmem>>) semaphore(%run_scoped3A_175 : memref<!tpu.dma_semaphore, #tpu.memory_space<semaphore_mem>>) {add = true}
        %dma_wait3A_182 = arith.constant 0 : i32
        %dma_wait3A_183 = tpu.memref_slice %arg14[%run_scoped3A, %dma_wait3A_182] : memref<7x512xi32, #tpu.memory_space<vmem>> -> memref<1x512xi32, #tpu.memory_space<vmem>>
        %dma_wait3A_184 = tpu.memref_squeeze %dma_wait3A_183 : memref<1x512xi32, #tpu.memory_space<vmem>> -> memref<512xi32, #tpu.memory_space<vmem>>
        %dma_wait3A_185 = arith.constant 0 : i32
        %dma_wait3A_186 = arith.constant 0 : i32
        %dma_wait3A_187 = tpu.memref_slice %arg18[%dma_wait3A_185, %dma_wait3A_186] : memref<5120x64xf32, #tpu.memory_space<vmem_shared>> -> memref<5120x64xf32, #tpu.memory_space<vmem_shared>>
        tpu.wait_indirect_dma semaphore(%run_scoped3A_175 : memref<!tpu.dma_semaphore, #tpu.memory_space<semaphore_mem>>) src(%arg12 : memref<512x64xf32, #tpu.memory_space<vmem>>) dst(%dma_wait3A_187 : memref<5120x64xf32, #tpu.memory_space<vmem_shared>>)
        tpu.yield
      }) : () -> ()
    } else {
    }
    %gt3A_97 = arith.constant 5 : i32
    %gt3A_98 = arith.cmpi sgt, %select_n3A, %gt3A_97 : i32
    %convert_element_type3A_99 = arith.extui %gt3A_98 : i1 to i32
    %cond3A_100 = arith.constant 0 : i32
    %cond3A_101 = arith.cmpi ne, %convert_element_type3A_99, %cond3A_100 : i32
    scf.if %cond3A_101 {
      %gt3A_159 = arith.constant 6 : i32
      %gt3A_160 = arith.cmpi sgt, %select_n3A, %gt3A_159 : i32
      %convert_element_type3A_161 = arith.extui %gt3A_160 : i1 to i32
      %cond3A_162 = arith.constant 0 : i32
      %cond3A_163 = arith.cmpi ne, %convert_element_type3A_161, %cond3A_162 : i32
      scf.if %cond3A_163 {
        %dma_start3A_175 = arith.constant 0 : i32
        %dma_start3A_176 = tpu.memref_slice %arg2[%select_n3A_71, %dma_start3A_175] : memref<100000x64xf32, #tpu.memory_space<hbm>> -> memref<512x64xf32, #tpu.memory_space<hbm>>
        %dma_start3A_177 = arith.constant 0 : i32
        %dma_start3A_178 = tpu.memref_slice %arg2[%select_n3A_71, %dma_start3A_177] : memref<100000x64xf32, #tpu.memory_space<hbm>> -> memref<512x64xf32, #tpu.memory_space<hbm>>
        tpu.enqueue_dma source(%dma_start3A_178 : memref<512x64xf32, #tpu.memory_space<hbm>>) target(%arg12 : memref<512x64xf32, #tpu.memory_space<vmem>>) target_semaphore(%arg20 : memref<!tpu.dma_semaphore, #tpu.memory_space<semaphore_mem>>)
      } else {
      }
      %dma_wait3A_164 = arith.constant 0 : i32
      %dma_wait3A_165 = tpu.memref_slice %arg2[%select_n3A_63, %dma_wait3A_164] : memref<100000x64xf32, #tpu.memory_space<hbm>> -> memref<512x64xf32, #tpu.memory_space<hbm>>
      %dma_wait3A_166 = arith.constant 0 : i32
      %dma_wait3A_167 = tpu.memref_slice %arg2[%select_n3A_63, %dma_wait3A_166] : memref<100000x64xf32, #tpu.memory_space<hbm>> -> memref<512x64xf32, #tpu.memory_space<hbm>>
      tpu.wait_dma2 semaphore(%arg21 : memref<!tpu.dma_semaphore, #tpu.memory_space<semaphore_mem>>) src(%dma_wait3A_167 : memref<512x64xf32, #tpu.memory_space<hbm>>) dst(%arg13 : memref<512x64xf32, #tpu.memory_space<vmem>>)
      %dma_start3A_168 = arith.constant 5 : i32
      %dma_start3A_169 = arith.constant 0 : i32
      %dma_start3A_170 = tpu.memref_slice %arg14[%dma_start3A_168, %dma_start3A_169] : memref<7x512xi32, #tpu.memory_space<vmem>> -> memref<1x512xi32, #tpu.memory_space<vmem>>
      %dma_start3A_171 = tpu.memref_squeeze %dma_start3A_170 : memref<1x512xi32, #tpu.memory_space<vmem>> -> memref<512xi32, #tpu.memory_space<vmem>>
      %dma_start3A_172 = arith.constant 0 : i32
      %dma_start3A_173 = arith.constant 0 : i32
      %dma_start3A_174 = tpu.memref_slice %arg19[%dma_start3A_172, %dma_start3A_173] : memref<5120x16xf32, #tpu.memory_space<vmem_shared>> -> memref<5120x16xf32, #tpu.memory_space<vmem_shared>>
      tpu.enqueue_indirect_dma source(%arg15 : memref<512x16xf32, #tpu.memory_space<vmem>>) target(%dma_start3A_174 : memref<5120x16xf32, #tpu.memory_space<vmem_shared>>) offsets(%dma_start3A_171 : memref<512xi32, #tpu.memory_space<vmem>>) semaphore(%arg23 : memref<!tpu.dma_semaphore, #tpu.memory_space<semaphore_mem>>) {add = true}
      %run_scoped3A = arith.constant 5 : i32
      "tpu.region"() ({
        %run_scoped3A_175 = tpu.sem_alloc : memref<!tpu.dma_semaphore, #tpu.memory_space<semaphore_mem>>
        %dma_start3A_176 = arith.constant 0 : i32
        %dma_start3A_177 = tpu.memref_slice %arg14[%run_scoped3A, %dma_start3A_176] : memref<7x512xi32, #tpu.memory_space<vmem>> -> memref<1x512xi32, #tpu.memory_space<vmem>>
        %dma_start3A_178 = tpu.memref_squeeze %dma_start3A_177 : memref<1x512xi32, #tpu.memory_space<vmem>> -> memref<512xi32, #tpu.memory_space<vmem>>
        %dma_start3A_179 = arith.constant 0 : i32
        %dma_start3A_180 = arith.constant 0 : i32
        %dma_start3A_181 = tpu.memref_slice %arg18[%dma_start3A_179, %dma_start3A_180] : memref<5120x64xf32, #tpu.memory_space<vmem_shared>> -> memref<5120x64xf32, #tpu.memory_space<vmem_shared>>
        tpu.enqueue_indirect_dma source(%arg13 : memref<512x64xf32, #tpu.memory_space<vmem>>) target(%dma_start3A_181 : memref<5120x64xf32, #tpu.memory_space<vmem_shared>>) offsets(%dma_start3A_178 : memref<512xi32, #tpu.memory_space<vmem>>) semaphore(%run_scoped3A_175 : memref<!tpu.dma_semaphore, #tpu.memory_space<semaphore_mem>>) {add = true}
        %dma_wait3A_182 = arith.constant 0 : i32
        %dma_wait3A_183 = tpu.memref_slice %arg14[%run_scoped3A, %dma_wait3A_182] : memref<7x512xi32, #tpu.memory_space<vmem>> -> memref<1x512xi32, #tpu.memory_space<vmem>>
        %dma_wait3A_184 = tpu.memref_squeeze %dma_wait3A_183 : memref<1x512xi32, #tpu.memory_space<vmem>> -> memref<512xi32, #tpu.memory_space<vmem>>
        %dma_wait3A_185 = arith.constant 0 : i32
        %dma_wait3A_186 = arith.constant 0 : i32
        %dma_wait3A_187 = tpu.memref_slice %arg18[%dma_wait3A_185, %dma_wait3A_186] : memref<5120x64xf32, #tpu.memory_space<vmem_shared>> -> memref<5120x64xf32, #tpu.memory_space<vmem_shared>>
        tpu.wait_indirect_dma semaphore(%run_scoped3A_175 : memref<!tpu.dma_semaphore, #tpu.memory_space<semaphore_mem>>) src(%arg13 : memref<512x64xf32, #tpu.memory_space<vmem>>) dst(%dma_wait3A_187 : memref<5120x64xf32, #tpu.memory_space<vmem_shared>>)
        tpu.yield
      }) : () -> ()
    } else {
    }
    %gt3A_102 = arith.constant 6 : i32
    %gt3A_103 = arith.cmpi sgt, %select_n3A, %gt3A_102 : i32
    %convert_element_type3A_104 = arith.extui %gt3A_103 : i1 to i32
    %cond3A_105 = arith.constant 0 : i32
    %cond3A_106 = arith.cmpi ne, %convert_element_type3A_104, %cond3A_105 : i32
    scf.if %cond3A_106 {
      %dma_wait3A_159 = arith.constant 0 : i32
      %dma_wait3A_160 = tpu.memref_slice %arg2[%select_n3A_71, %dma_wait3A_159] : memref<100000x64xf32, #tpu.memory_space<hbm>> -> memref<512x64xf32, #tpu.memory_space<hbm>>
      %dma_wait3A_161 = arith.constant 0 : i32
      %dma_wait3A_162 = tpu.memref_slice %arg2[%select_n3A_71, %dma_wait3A_161] : memref<100000x64xf32, #tpu.memory_space<hbm>> -> memref<512x64xf32, #tpu.memory_space<hbm>>
      tpu.wait_dma2 semaphore(%arg20 : memref<!tpu.dma_semaphore, #tpu.memory_space<semaphore_mem>>) src(%dma_wait3A_162 : memref<512x64xf32, #tpu.memory_space<hbm>>) dst(%arg12 : memref<512x64xf32, #tpu.memory_space<vmem>>)
      %dma_start3A_163 = arith.constant 6 : i32
      %dma_start3A_164 = arith.constant 0 : i32
      %dma_start3A_165 = tpu.memref_slice %arg14[%dma_start3A_163, %dma_start3A_164] : memref<7x512xi32, #tpu.memory_space<vmem>> -> memref<1x512xi32, #tpu.memory_space<vmem>>
      %dma_start3A_166 = tpu.memref_squeeze %dma_start3A_165 : memref<1x512xi32, #tpu.memory_space<vmem>> -> memref<512xi32, #tpu.memory_space<vmem>>
      %dma_start3A_167 = arith.constant 0 : i32
      %dma_start3A_168 = arith.constant 0 : i32
      %dma_start3A_169 = tpu.memref_slice %arg19[%dma_start3A_167, %dma_start3A_168] : memref<5120x16xf32, #tpu.memory_space<vmem_shared>> -> memref<5120x16xf32, #tpu.memory_space<vmem_shared>>
      tpu.enqueue_indirect_dma source(%arg15 : memref<512x16xf32, #tpu.memory_space<vmem>>) target(%dma_start3A_169 : memref<5120x16xf32, #tpu.memory_space<vmem_shared>>) offsets(%dma_start3A_166 : memref<512xi32, #tpu.memory_space<vmem>>) semaphore(%arg23 : memref<!tpu.dma_semaphore, #tpu.memory_space<semaphore_mem>>) {add = true}
      %run_scoped3A = arith.constant 6 : i32
      "tpu.region"() ({
        %run_scoped3A_170 = tpu.sem_alloc : memref<!tpu.dma_semaphore, #tpu.memory_space<semaphore_mem>>
        %dma_start3A_171 = arith.constant 0 : i32
        %dma_start3A_172 = tpu.memref_slice %arg14[%run_scoped3A, %dma_start3A_171] : memref<7x512xi32, #tpu.memory_space<vmem>> -> memref<1x512xi32, #tpu.memory_space<vmem>>
        %dma_start3A_173 = tpu.memref_squeeze %dma_start3A_172 : memref<1x512xi32, #tpu.memory_space<vmem>> -> memref<512xi32, #tpu.memory_space<vmem>>
        %dma_start3A_174 = arith.constant 0 : i32
        %dma_start3A_175 = arith.constant 0 : i32
        %dma_start3A_176 = tpu.memref_slice %arg18[%dma_start3A_174, %dma_start3A_175] : memref<5120x64xf32, #tpu.memory_space<vmem_shared>> -> memref<5120x64xf32, #tpu.memory_space<vmem_shared>>
        tpu.enqueue_indirect_dma source(%arg12 : memref<512x64xf32, #tpu.memory_space<vmem>>) target(%dma_start3A_176 : memref<5120x64xf32, #tpu.memory_space<vmem_shared>>) offsets(%dma_start3A_173 : memref<512xi32, #tpu.memory_space<vmem>>) semaphore(%run_scoped3A_170 : memref<!tpu.dma_semaphore, #tpu.memory_space<semaphore_mem>>) {add = true}
        %dma_wait3A_177 = arith.constant 0 : i32
        %dma_wait3A_178 = tpu.memref_slice %arg14[%run_scoped3A, %dma_wait3A_177] : memref<7x512xi32, #tpu.memory_space<vmem>> -> memref<1x512xi32, #tpu.memory_space<vmem>>
        %dma_wait3A_179 = tpu.memref_squeeze %dma_wait3A_178 : memref<1x512xi32, #tpu.memory_space<vmem>> -> memref<512xi32, #tpu.memory_space<vmem>>
        %dma_wait3A_180 = arith.constant 0 : i32
        %dma_wait3A_181 = arith.constant 0 : i32
        %dma_wait3A_182 = tpu.memref_slice %arg18[%dma_wait3A_180, %dma_wait3A_181] : memref<5120x64xf32, #tpu.memory_space<vmem_shared>> -> memref<5120x64xf32, #tpu.memory_space<vmem_shared>>
        tpu.wait_indirect_dma semaphore(%run_scoped3A_170 : memref<!tpu.dma_semaphore, #tpu.memory_space<semaphore_mem>>) src(%arg12 : memref<512x64xf32, #tpu.memory_space<vmem>>) dst(%dma_wait3A_182 : memref<5120x64xf32, #tpu.memory_space<vmem_shared>>)
        tpu.yield
      }) : () -> ()
    } else {
    }
    %gt3A_107 = arith.constant 0 : i32
    %gt3A_108 = arith.cmpi sgt, %select_n3A, %gt3A_107 : i32
    %convert_element_type3A_109 = arith.extui %gt3A_108 : i1 to i32
    %cond3A_110 = arith.constant 0 : i32
    %cond3A_111 = arith.cmpi ne, %convert_element_type3A_109, %cond3A_110 : i32
    scf.if %cond3A_111 {
      tpu.wait_dma2 semaphore(%arg23 : memref<!tpu.dma_semaphore, #tpu.memory_space<semaphore_mem>>) src(%arg8 : memref<512x16xf32, #tpu.memory_space<hbm>>) dst(%arg15 : memref<512x16xf32, #tpu.memory_space<vmem>>)
    } else {
    }
    %gt3A_112 = arith.constant 1 : i32
    %gt3A_113 = arith.cmpi sgt, %select_n3A, %gt3A_112 : i32
    %convert_element_type3A_114 = arith.extui %gt3A_113 : i1 to i32
    %cond3A_115 = arith.constant 0 : i32
    %cond3A_116 = arith.cmpi ne, %convert_element_type3A_114, %cond3A_115 : i32
    scf.if %cond3A_116 {
      tpu.wait_dma2 semaphore(%arg23 : memref<!tpu.dma_semaphore, #tpu.memory_space<semaphore_mem>>) src(%arg8 : memref<512x16xf32, #tpu.memory_space<hbm>>) dst(%arg15 : memref<512x16xf32, #tpu.memory_space<vmem>>)
    } else {
    }
    %gt3A_117 = arith.constant 2 : i32
    %gt3A_118 = arith.cmpi sgt, %select_n3A, %gt3A_117 : i32
    %convert_element_type3A_119 = arith.extui %gt3A_118 : i1 to i32
    %cond3A_120 = arith.constant 0 : i32
    %cond3A_121 = arith.cmpi ne, %convert_element_type3A_119, %cond3A_120 : i32
    scf.if %cond3A_121 {
      tpu.wait_dma2 semaphore(%arg23 : memref<!tpu.dma_semaphore, #tpu.memory_space<semaphore_mem>>) src(%arg8 : memref<512x16xf32, #tpu.memory_space<hbm>>) dst(%arg15 : memref<512x16xf32, #tpu.memory_space<vmem>>)
    } else {
    }
    %gt3A_122 = arith.constant 3 : i32
    %gt3A_123 = arith.cmpi sgt, %select_n3A, %gt3A_122 : i32
    %convert_element_type3A_124 = arith.extui %gt3A_123 : i1 to i32
    %cond3A_125 = arith.constant 0 : i32
    %cond3A_126 = arith.cmpi ne, %convert_element_type3A_124, %cond3A_125 : i32
    scf.if %cond3A_126 {
      tpu.wait_dma2 semaphore(%arg23 : memref<!tpu.dma_semaphore, #tpu.memory_space<semaphore_mem>>) src(%arg8 : memref<512x16xf32, #tpu.memory_space<hbm>>) dst(%arg15 : memref<512x16xf32, #tpu.memory_space<vmem>>)
    } else {
    }
    %gt3A_127 = arith.constant 4 : i32
    %gt3A_128 = arith.cmpi sgt, %select_n3A, %gt3A_127 : i32
    %convert_element_type3A_129 = arith.extui %gt3A_128 : i1 to i32
    %cond3A_130 = arith.constant 0 : i32
    %cond3A_131 = arith.cmpi ne, %convert_element_type3A_129, %cond3A_130 : i32
    scf.if %cond3A_131 {
      tpu.wait_dma2 semaphore(%arg23 : memref<!tpu.dma_semaphore, #tpu.memory_space<semaphore_mem>>) src(%arg8 : memref<512x16xf32, #tpu.memory_space<hbm>>) dst(%arg15 : memref<512x16xf32, #tpu.memory_space<vmem>>)
    } else {
    }
    %gt3A_132 = arith.constant 5 : i32
    %gt3A_133 = arith.cmpi sgt, %select_n3A, %gt3A_132 : i32
    %convert_element_type3A_134 = arith.extui %gt3A_133 : i1 to i32
    %cond3A_135 = arith.constant 0 : i32
    %cond3A_136 = arith.cmpi ne, %convert_element_type3A_134, %cond3A_135 : i32
    scf.if %cond3A_136 {
      tpu.wait_dma2 semaphore(%arg23 : memref<!tpu.dma_semaphore, #tpu.memory_space<semaphore_mem>>) src(%arg8 : memref<512x16xf32, #tpu.memory_space<hbm>>) dst(%arg15 : memref<512x16xf32, #tpu.memory_space<vmem>>)
    } else {
    }
    %gt3A_137 = arith.constant 6 : i32
    %gt3A_138 = arith.cmpi sgt, %select_n3A, %gt3A_137 : i32
    %convert_element_type3A_139 = arith.extui %gt3A_138 : i1 to i32
    %cond3A_140 = arith.constant 0 : i32
    %cond3A_141 = arith.cmpi ne, %convert_element_type3A_139, %cond3A_140 : i32
    scf.if %cond3A_141 {
      tpu.wait_dma2 semaphore(%arg23 : memref<!tpu.dma_semaphore, #tpu.memory_space<semaphore_mem>>) src(%arg8 : memref<512x16xf32, #tpu.memory_space<hbm>>) dst(%arg15 : memref<512x16xf32, #tpu.memory_space<vmem>>)
    } else {
    }
    %mul3A_142 = arith.constant 32 : i32
    %mul3A_143 = arith.muli %add3A, %mul3A_142 : i32
    "tpu.region"() ({
      %run_scoped3A = tpu.sem_alloc : memref<!tpu.dma_semaphore, #tpu.memory_space<semaphore_mem>>
      %dma_start3A_159 = tpu.memref_slice %arg5[%mul3A_143] : memref<1024xi32, #tpu.memory_space<hbm>> -> memref<32xi32, #tpu.memory_space<hbm>>
      %dma_start3A_160 = tpu.memref_slice %arg5[%mul3A_143] : memref<1024xi32, #tpu.memory_space<hbm>> -> memref<32xi32, #tpu.memory_space<hbm>>
      tpu.enqueue_dma source(%dma_start3A_160 : memref<32xi32, #tpu.memory_space<hbm>>) target(%arg16 : memref<32xi32, #tpu.memory_space<vmem>>) target_semaphore(%run_scoped3A : memref<!tpu.dma_semaphore, #tpu.memory_space<semaphore_mem>>)
      %dma_wait3A_161 = tpu.memref_slice %arg5[%mul3A_143] : memref<1024xi32, #tpu.memory_space<hbm>> -> memref<32xi32, #tpu.memory_space<hbm>>
      %dma_wait3A_162 = tpu.memref_slice %arg5[%mul3A_143] : memref<1024xi32, #tpu.memory_space<hbm>> -> memref<32xi32, #tpu.memory_space<hbm>>
      tpu.wait_dma2 semaphore(%run_scoped3A : memref<!tpu.dma_semaphore, #tpu.memory_space<semaphore_mem>>) src(%dma_wait3A_162 : memref<32xi32, #tpu.memory_space<hbm>>) dst(%arg16 : memref<32xi32, #tpu.memory_space<vmem>>)
      tpu.yield
    }) : () -> ()
    %dma_start3A_144 = arith.constant 0 : i32
    %dma_start3A_145 = tpu.memref_slice %arg4[%dma_start3A_144] : memref<100000xi32, #tpu.memory_space<hbm>> -> memref<100000xi32, #tpu.memory_space<hbm>>
    tpu.enqueue_indirect_dma source(%dma_start3A_145 : memref<100000xi32, #tpu.memory_space<hbm>>) target(%arg17 : memref<32xi32, #tpu.memory_space<vmem>>) offsets(%arg16 : memref<32xi32, #tpu.memory_space<vmem>>) semaphore(%arg22 : memref<!tpu.dma_semaphore, #tpu.memory_space<semaphore_mem>>)
    %dma_wait3A = arith.constant 0 : i32
    %dma_wait3A_146 = tpu.memref_slice %arg4[%dma_wait3A] : memref<100000xi32, #tpu.memory_space<hbm>> -> memref<100000xi32, #tpu.memory_space<hbm>>
    tpu.wait_indirect_dma semaphore(%arg22 : memref<!tpu.dma_semaphore, #tpu.memory_space<semaphore_mem>>) src(%dma_wait3A_146 : memref<100000xi32, #tpu.memory_space<hbm>>) dst(%arg17 : memref<32xi32, #tpu.memory_space<vmem>>)
    %mul3A_147 = arith.constant 32 : i32
    %mul3A_148 = arith.muli %add3A, %mul3A_147 : i32
    "tpu.region"() ({
      %run_scoped3A = tpu.sem_alloc : memref<!tpu.dma_semaphore, #tpu.memory_space<semaphore_mem>>
      %dma_start3A_159 = tpu.memref_slice %arg11[%mul3A_148] : memref<1024xi32, #tpu.memory_space<hbm>> -> memref<32xi32, #tpu.memory_space<hbm>>
      %dma_start3A_160 = tpu.memref_slice %arg11[%mul3A_148] : memref<1024xi32, #tpu.memory_space<hbm>> -> memref<32xi32, #tpu.memory_space<hbm>>
      tpu.enqueue_dma source(%arg17 : memref<32xi32, #tpu.memory_space<vmem>>) target(%dma_start3A_160 : memref<32xi32, #tpu.memory_space<hbm>>) target_semaphore(%run_scoped3A : memref<!tpu.dma_semaphore, #tpu.memory_space<semaphore_mem>>)
      %dma_wait3A_161 = tpu.memref_slice %arg11[%mul3A_148] : memref<1024xi32, #tpu.memory_space<hbm>> -> memref<32xi32, #tpu.memory_space<hbm>>
      %dma_wait3A_162 = tpu.memref_slice %arg11[%mul3A_148] : memref<1024xi32, #tpu.memory_space<hbm>> -> memref<32xi32, #tpu.memory_space<hbm>>
      tpu.wait_dma2 semaphore(%run_scoped3A : memref<!tpu.dma_semaphore, #tpu.memory_space<semaphore_mem>>) src(%arg17 : memref<32xi32, #tpu.memory_space<vmem>>) dst(%dma_wait3A_162 : memref<32xi32, #tpu.memory_space<hbm>>)
      tpu.yield
    }) : () -> ()
    %barrier3A_149 = arith.constant 0 : index
    tpu.barrier barrier_id(%barrier3A_149)
    %mul3A_150 = arith.constant 5120 : i32
    %mul3A_151 = arith.muli %arg0, %mul3A_150 : i32
    %mul3A_152 = arith.constant 320 : i32
    %mul3A_153 = arith.muli %arg1, %mul3A_152 : i32
    %add3A_154 = arith.addi %mul3A_151, %mul3A_153 : i32
    %mul3A_155 = arith.constant 320 : i32
    %mul3A_156 = arith.muli %arg1, %mul3A_155 : i32
    "tpu.region"() ({
      %run_scoped3A = tpu.sem_alloc : memref<!tpu.dma_semaphore, #tpu.memory_space<semaphore_mem>>
      %dma_start3A_159 = arith.constant 0 : i32
      %dma_start3A_160 = tpu.memref_slice %arg9[%add3A_154, %dma_start3A_159] : memref<10240x64xf32, #tpu.memory_space<hbm>> -> memref<320x64xf32, #tpu.memory_space<hbm>>
      %dma_start3A_161 = arith.constant 0 : i32
      %dma_start3A_162 = tpu.memref_slice %arg18[%mul3A_156, %dma_start3A_161] : memref<5120x64xf32, #tpu.memory_space<vmem_shared>> -> memref<320x64xf32, #tpu.memory_space<vmem_shared>>
      tpu.enqueue_dma source(%dma_start3A_162 : memref<320x64xf32, #tpu.memory_space<vmem_shared>>) target(%dma_start3A_160 : memref<320x64xf32, #tpu.memory_space<hbm>>) target_semaphore(%run_scoped3A : memref<!tpu.dma_semaphore, #tpu.memory_space<semaphore_mem>>)
      %dma_wait3A_163 = arith.constant 0 : i32
      %dma_wait3A_164 = tpu.memref_slice %arg9[%add3A_154, %dma_wait3A_163] : memref<10240x64xf32, #tpu.memory_space<hbm>> -> memref<320x64xf32, #tpu.memory_space<hbm>>
      %dma_wait3A_165 = arith.constant 0 : i32
      %dma_wait3A_166 = tpu.memref_slice %arg18[%mul3A_156, %dma_wait3A_165] : memref<5120x64xf32, #tpu.memory_space<vmem_shared>> -> memref<320x64xf32, #tpu.memory_space<vmem_shared>>
      tpu.wait_dma2 semaphore(%run_scoped3A : memref<!tpu.dma_semaphore, #tpu.memory_space<semaphore_mem>>) src(%dma_wait3A_166 : memref<320x64xf32, #tpu.memory_space<vmem_shared>>) dst(%dma_wait3A_164 : memref<320x64xf32, #tpu.memory_space<hbm>>)
      tpu.yield
    }) : () -> ()
    %mul3A_157 = arith.constant 320 : i32
    %mul3A_158 = arith.muli %arg1, %mul3A_157 : i32
    "tpu.region"() ({
      %run_scoped3A = tpu.sem_alloc : memref<!tpu.dma_semaphore, #tpu.memory_space<semaphore_mem>>
      %dma_start3A_159 = arith.constant 0 : i32
      %dma_start3A_160 = tpu.memref_slice %arg10[%add3A_154, %dma_start3A_159] : memref<10240x16xf32, #tpu.memory_space<hbm>> -> memref<320x16xf32, #tpu.memory_space<hbm>>
      %dma_start3A_161 = arith.constant 0 : i32
      %dma_start3A_162 = tpu.memref_slice %arg19[%mul3A_158, %dma_start3A_161] : memref<5120x16xf32, #tpu.memory_space<vmem_shared>> -> memref<320x16xf32, #tpu.memory_space<vmem_shared>>
      tpu.enqueue_dma source(%dma_start3A_162 : memref<320x16xf32, #tpu.memory_space<vmem_shared>>) target(%dma_start3A_160 : memref<320x16xf32, #tpu.memory_space<hbm>>) target_semaphore(%run_scoped3A : memref<!tpu.dma_semaphore, #tpu.memory_space<semaphore_mem>>)
      %dma_wait3A_163 = arith.constant 0 : i32
      %dma_wait3A_164 = tpu.memref_slice %arg10[%add3A_154, %dma_wait3A_163] : memref<10240x16xf32, #tpu.memory_space<hbm>> -> memref<320x16xf32, #tpu.memory_space<hbm>>
      %dma_wait3A_165 = arith.constant 0 : i32
      %dma_wait3A_166 = tpu.memref_slice %arg19[%mul3A_158, %dma_wait3A_165] : memref<5120x16xf32, #tpu.memory_space<vmem_shared>> -> memref<320x16xf32, #tpu.memory_space<vmem_shared>>
      tpu.wait_dma2 semaphore(%run_scoped3A : memref<!tpu.dma_semaphore, #tpu.memory_space<semaphore_mem>>) src(%dma_wait3A_166 : memref<320x16xf32, #tpu.memory_space<vmem_shared>>) dst(%dma_wait3A_164 : memref<320x16xf32, #tpu.memory_space<hbm>>)
      tpu.yield
    }) : () -> ()
    return
  }
}

module attributes {stable_mosaic.version = 14 : i64} {
  func.func @_tc_body(%arg0: i32, %arg1: memref<128x64xf32, #tpu.memory_space<vmem>>, %arg2: memref<10240x64xf32, #tpu.memory_space<vmem>>, %arg3: memref<10240x16xf32, #tpu.memory_space<vmem>>, %arg4: memref<128x1xi32, #tpu.memory_space<vmem>>, %arg5: memref<1x1xf32, #tpu.memory_space<smem>>, %arg6: memref<1xf32, #tpu.memory_space<smem>>) attributes {dimension_semantics = [#tpu.dimension_semantics<arbitrary>], iteration_bounds = array<i64: 8>, scalar_prefetch = 0 : i64, scratch_operands = 1 : i64, tpu.core_type = #tpu.core_type<tc>, window_params = [{transform_indices = @transform_0, window_bounds = array<i64: 128, 64>}, {pipeline_mode = #tpu.pipeline_mode<synchronous>, transform_indices = @transform_1, window_bounds = array<i64: 10240, 64>}, {pipeline_mode = #tpu.pipeline_mode<synchronous>, transform_indices = @transform_2, window_bounds = array<i64: 10240, 16>}, {transform_indices = @transform_3, window_bounds = array<i64: 128, 1>}, {transform_indices = @transform_4, window_bounds = array<i64: 1, 1>}]} {
    %get3A = arith.constant 0 : index
    %get3A_0 = arith.constant 0 : index
    %get3A_1 = vector.load %arg1[%get3A, %get3A_0] : memref<128x64xf32, #tpu.memory_space<vmem>>, vector<128x64xf32>
    %mul3A = arith.mulf %get3A_1, %get3A_1 : vector<128x64xf32>
    %reduce_sum3A = arith.constant dense<0.000000e+00> : vector<128xf32>
    %reduce_sum3A_2 = vector.multi_reduction <add>, %mul3A, %reduce_sum3A [1] : vector<128x64xf32> to vector<128xf32>
    %broadcast_in_dim3A = vector.shape_cast %reduce_sum3A_2 : vector<128xf32> to vector<128x1xf32>
    %sqrt3A = math.sqrt %broadcast_in_dim3A : vector<128x1xf32>
    %max3A = arith.constant 9.99999996E-13 : f32
    %max3A_3 = vector.broadcast %max3A : f32 to vector<128x1xf32>
    %max3A_4 = arith.maximumf %sqrt3A, %max3A_3 : vector<128x1xf32>
    %div3A = vector.broadcast %max3A_4 : vector<128x1xf32> to vector<128x64xf32>
    %div3A_5 = arith.divf %get3A_1, %div3A : vector<128x64xf32>
    %get3A_6 = arith.constant 0 : index
    %get3A_7 = arith.constant 0 : index
    %get3A_8 = vector.load %arg2[%get3A_6, %get3A_7] : memref<10240x64xf32, #tpu.memory_space<vmem>>, vector<5120x64xf32>
    %get3A_9 = arith.constant 5120 : index
    %get3A_10 = arith.constant 0 : index
    %get3A_11 = vector.load %arg2[%get3A_9, %get3A_10] : memref<10240x64xf32, #tpu.memory_space<vmem>>, vector<5120x64xf32>
    %add3A = arith.addf %get3A_8, %get3A_11 : vector<5120x64xf32>
    %get3A_12 = arith.constant 0 : index
    %get3A_13 = arith.constant 0 : index
    %get3A_14 = vector.load %arg3[%get3A_12, %get3A_13] : memref<10240x16xf32, #tpu.memory_space<vmem>>, vector<5120x1xf32>
    %get3A_15 = arith.constant 5120 : index
    %get3A_16 = arith.constant 0 : index
    %get3A_17 = vector.load %arg3[%get3A_15, %get3A_16] : memref<10240x16xf32, #tpu.memory_space<vmem>>, vector<5120x1xf32>
    %add3A_18 = arith.addf %get3A_14, %get3A_17 : vector<5120x1xf32>
    %gt3A = arith.constant 0.000000e+00 : f32
    %gt3A_19 = vector.broadcast %gt3A : f32 to vector<5120x1xf32>
    %gt3A_20 = arith.cmpf ogt, %add3A_18, %gt3A_19 : vector<5120x1xf32>
    %iota3A = tpu.iota {dimensions = array<i32: 0>} : vector<5120x1xi32>
    %lt3A = arith.constant 5000 : i32
    %lt3A_21 = vector.broadcast %lt3A : i32 to vector<5120x1xi32>
    %lt3A_22 = arith.cmpi slt, %iota3A, %lt3A_21 : vector<5120x1xi32>
    %and3A = arith.andi %gt3A_20, %lt3A_22 : vector<5120x1xi1>
    %jit3A = arith.constant 1.000000e+00 : f32
    %broadcast_in_dim3A_23 = vector.broadcast %jit3A : f32 to vector<5120x1xf32>
    %select_n3A = arith.select %gt3A_20, %add3A_18, %broadcast_in_dim3A_23 : vector<5120x1xi1>, vector<5120x1xf32>
    %mul3A_24 = arith.constant 5.000000e-02 : f32
    %mul3A_25 = vector.broadcast %mul3A_24 : f32 to vector<5120x1xf32>
    %mul3A_26 = arith.mulf %mul3A_25, %select_n3A : vector<5120x1xf32>
    %div3A_27 = arith.constant 1.000000e+00 : f32
    %div3A_28 = vector.broadcast %div3A_27 : f32 to vector<5120x1xf32>
    %div3A_29 = arith.divf %div3A_28, %mul3A_26 : vector<5120x1xf32>
    %mul3A_30 = vector.broadcast %div3A_29 : vector<5120x1xf32> to vector<5120x64xf32>
    %mul3A_31 = arith.mulf %add3A, %mul3A_30 : vector<5120x64xf32>
    %jit3A_32 = arith.constant 0.000000e+00 : f32
    %jit3A_33 = arith.constant -1.000000e+09 : f32
    %broadcast_in_dim3A_34 = vector.broadcast %jit3A_32 : f32 to vector<5120x1xf32>
    %broadcast_in_dim3A_35 = vector.broadcast %jit3A_33 : f32 to vector<5120x1xf32>
    %select_n3A_36 = arith.select %and3A, %broadcast_in_dim3A_34, %broadcast_in_dim3A_35 : vector<5120x1xi1>, vector<5120x1xf32>
    %dot_general3A = arith.constant dense<0.000000e+00> : vector<128x5120xf32>
    %dot_general3A_37 = tpu.matmul %div3A_5, %mul3A_31, %dot_general3A {dimension_numbers = #tpu.dot_dimension_numbers<[1], [1], [0], [0], [0, 0, 1, 0], [], []>, transpose_lhs_hint = false} : vector<128x64xf32>, vector<5120x64xf32>, vector<128x5120xf32> -> vector<128x5120xf32>
    %broadcast_in_dim3A_38 = arith.constant 1.000000e+00 : f32
    %broadcast_in_dim3A_39 = vector.broadcast %broadcast_in_dim3A_38 : f32 to vector<128x1xf32>
    %dot_general3A_40 = arith.constant dense<0.000000e+00> : vector<128x5120xf32>
    %dot_general3A_41 = tpu.matmul %broadcast_in_dim3A_39, %select_n3A_36, %dot_general3A_40 {dimension_numbers = #tpu.dot_dimension_numbers<[1], [1], [0], [0], [0, 0, 1, 0], [], []>, transpose_lhs_hint = false} : vector<128x1xf32>, vector<5120x1xf32>, vector<128x5120xf32> -> vector<128x5120xf32>
    %add3A_42 = arith.addf %dot_general3A_37, %dot_general3A_41 : vector<128x5120xf32>
    %exp3A = math.exp %add3A_42 : vector<128x5120xf32>
    %reduce_sum3A_43 = arith.constant dense<0.000000e+00> : vector<128xf32>
    %reduce_sum3A_44 = vector.multi_reduction <add>, %exp3A, %reduce_sum3A_43 [1] : vector<128x5120xf32> to vector<128xf32>
    %broadcast_in_dim3A_45 = vector.shape_cast %reduce_sum3A_44 : vector<128xf32> to vector<128x1xf32>
    %add3A_46 = arith.constant 9.99999997E-7 : f32
    %add3A_47 = vector.broadcast %add3A_46 : f32 to vector<128x1xf32>
    %add3A_48 = arith.addf %broadcast_in_dim3A_45, %add3A_47 : vector<128x1xf32>
    %get3A_49 = arith.constant 0 : index
    %get3A_50 = arith.constant 0 : index
    %get3A_51 = vector.load %arg4[%get3A_49, %get3A_50] : memref<128x1xi32, #tpu.memory_space<vmem>>, vector<128x1xi32>
    %iota3A_52 = tpu.iota {dimensions = array<i32: 1>} : vector<128x5120xi32>
    %eq3A = vector.broadcast %get3A_51 : vector<128x1xi32> to vector<128x5120xi32>
    %eq3A_53 = arith.cmpi eq, %iota3A_52, %eq3A : vector<128x5120xi32>
    %jit3A_54 = arith.constant 0.000000e+00 : f32
    %broadcast_in_dim3A_55 = vector.broadcast %jit3A_54 : f32 to vector<128x5120xf32>
    %select_n3A_56 = arith.select %eq3A_53, %add3A_42, %broadcast_in_dim3A_55 : vector<128x5120xi1>, vector<128x5120xf32>
    %reduce_sum3A_57 = arith.constant dense<0.000000e+00> : vector<128xf32>
    %reduce_sum3A_58 = vector.multi_reduction <add>, %select_n3A_56, %reduce_sum3A_57 [1] : vector<128x5120xf32> to vector<128xf32>
    %broadcast_in_dim3A_59 = vector.shape_cast %reduce_sum3A_58 : vector<128xf32> to vector<128x1xf32>
    %exp3A_60 = math.exp %broadcast_in_dim3A_59 : vector<128x1xf32>
    %div3A_61 = arith.divf %exp3A_60, %add3A_48 : vector<128x1xf32>
    %add3A_62 = arith.constant 9.99999997E-7 : f32
    %add3A_63 = vector.broadcast %add3A_62 : f32 to vector<128x1xf32>
    %add3A_64 = arith.addf %div3A_61, %add3A_63 : vector<128x1xf32>
    %log3A = math.log %add3A_64 : vector<128x1xf32>
    %neg3A = arith.constant 0.000000e+00 : f32
    %neg3A_65 = vector.broadcast %neg3A : f32 to vector<128x1xf32>
    %neg3A_66 = arith.subf %neg3A_65, %log3A : vector<128x1xf32>
    %eq3A_67 = arith.constant 0 : i32
    %eq3A_68 = arith.cmpi eq, %arg0, %eq3A_67 : i32
    %convert_element_type3A = arith.extui %eq3A_68 : i1 to i32
    %cond3A = arith.constant 0 : i32
    %cond3A_69 = arith.cmpi ne, %convert_element_type3A, %cond3A : i32
    scf.if %cond3A_69 {
      %swap3A_86 = arith.constant 0.000000e+00 : f32
      %swap3A_87 = arith.constant 0 : index
      %swap3A_88 = memref.load %arg6[%swap3A_87] : memref<1xf32, #tpu.memory_space<smem>>
      memref.store %swap3A_86, %arg6[%swap3A_87] : memref<1xf32, #tpu.memory_space<smem>>
    } else {
    }
    %get3A_70 = arith.constant 0 : index
    %get3A_71 = memref.load %arg6[%get3A_70] : memref<1xf32, #tpu.memory_space<smem>>
    %reduce_sum3A_72 = vector.shape_cast %neg3A_66 : vector<128x1xf32> to vector<1x128x1xf32>
    %reduce_sum3A_73 = arith.constant dense<0.000000e+00> : vector<1xf32>
    %reduce_sum3A_74 = vector.multi_reduction <add>, %reduce_sum3A_72, %reduce_sum3A_73 [1, 2] : vector<1x128x1xf32> to vector<1xf32>
    %reduce_sum3A_75 = vector.shape_cast %reduce_sum3A_74 : vector<1xf32> to vector<1x1x1xf32>
    %reduce_sum3A_76 = vector.extract %reduce_sum3A_75[0, 0, 0] : f32 from vector<1x1x1xf32>
    %add3A_77 = arith.addf %get3A_71, %reduce_sum3A_76 : f32
    %swap3A = arith.constant 0 : index
    %swap3A_78 = memref.load %arg6[%swap3A] : memref<1xf32, #tpu.memory_space<smem>>
    memref.store %add3A_77, %arg6[%swap3A] : memref<1xf32, #tpu.memory_space<smem>>
    %get3A_79 = arith.constant 0 : index
    %get3A_80 = memref.load %arg6[%get3A_79] : memref<1xf32, #tpu.memory_space<smem>>
    %mul3A_81 = arith.constant 9.765625E-4 : f32
    %mul3A_82 = arith.mulf %get3A_80, %mul3A_81 : f32
    %swap3A_83 = arith.constant 0 : index
    %swap3A_84 = arith.constant 0 : index
    %swap3A_85 = memref.load %arg5[%swap3A_83, %swap3A_84] : memref<1x1xf32, #tpu.memory_space<smem>>
    memref.store %mul3A_82, %arg5[%swap3A_83, %swap3A_84] : memref<1x1xf32, #tpu.memory_space<smem>>
    return
  }
  func.func @transform_0(%arg0: i32) -> (i32, i32) {
    %c0_i32 = arith.constant 0 : i32
    %c0_i32_0 = arith.constant 0 : i32
    return %arg0, %c0_i32 : i32, i32
  }
  func.func @transform_1(%arg0: i32) -> (i32, i32) {
    %c0_i32 = arith.constant 0 : i32
    %c0_i32_0 = arith.constant 0 : i32
    %c0_i32_1 = arith.constant 0 : i32
    return %c0_i32, %c0_i32_0 : i32, i32
  }
  func.func @transform_2(%arg0: i32) -> (i32, i32) {
    %c0_i32 = arith.constant 0 : i32
    %c0_i32_0 = arith.constant 0 : i32
    %c0_i32_1 = arith.constant 0 : i32
    return %c0_i32, %c0_i32_0 : i32, i32
  }
  func.func @transform_3(%arg0: i32) -> (i32, i32) {
    %c0_i32 = arith.constant 0 : i32
    %c0_i32_0 = arith.constant 0 : i32
    return %arg0, %c0_i32 : i32, i32
  }
  func.func @transform_4(%arg0: i32) -> (i32, i32) {
    %c0_i32 = arith.constant 0 : i32
    %c0_i32_0 = arith.constant 0 : i32
    %c0_i32_1 = arith.constant 0 : i32
    return %c0_i32, %c0_i32_0 : i32, i32
  }
}

</mosaic_0001>

<sc_bundles>
// kernel: kernel.4.cloned.1.call-start
scs
__scs_entry_jumppad:
0x0: {  	(pc) =	sbr.rel $0x88, $3  }
0x1: {  	(tag) =	ssettag $0x0;
	lr =	simm.s32 $0x1  }
0x2: {  	[smem:$0x3F9D] =	sst lr;
	_ =	strace $0xD0000000  }
0x3: {  	_ = 	snop  }
0x4: {  	_ = 	snop  }
0x5: {  	_ = 	snop  }
0x6: {  	_ = 	snop  }
0x7: {  	_ = 	snop  }
__scs_overlays_trampoline_lowered:
0x8: {  	[smem:$0x3FAC] =	sst s0  }
0x9: {  	[smem:$0x3FAD] =	sst s1  }
0xa: {  	[smem:$0x3FAE] =	sst s2  }
0xb: {  	[smem:$0x3FAF] =	sst s3  }
0xc: {  	[smem:$0x3FB0] =	sst s4  }
0xd: {  	[smem:$0x3FB1] =	sst s5  }
0xe: {  	[smem:$0x3FB2] =	sst s6  }
0xf: {  	[smem:$0x3FB3] =	sst s7  }
0x10: {  	[smem:$0x3FB4] =	sst s8  }
0x11: {  	[smem:$0x3FB5] =	sst s9;
	s0 =	simm.s32 @!p0 $0x0  }
0x12: {  	s1 =	sld [smem:$0x3F9B];
	s0 =	simm.s32 @p0 $0x1  }
0x13: {  	[smem:$0x3FB6] =	sst s0;
	s0 =	simm.s32 @!p1 $0x0  }
0x14: {  	s2 =	sld [smem:$0x3F9A];
	s0 =	simm.s32 @p1 $0x1  }
0x15: {  	[smem:$0x3FB7] =	sst s0;
	s0 =	simm.s32 @!p2 $0x0  }
0x16: {  	s3 =	sld [smem:$0x3FDB];
	s0 =	simm.s32 @p2 $0x1  }
0x17: {  	s4 =	simm.s32 $0x1BF5;
	[smem:$0x3FB9] =	sst s0  }
0x18: {  	s0 =	sld [smem:$0x3F9C];
	_ =	swait.ge [sflag:s4], $0x0  }
0x19: {  	s7 =	sld [smem:$0x3F9D]  }
0x1a: {  	s8 =	sadd.s32 $0xFFFFE003, lr  }
0x1b: {  	s9 =	sadd.s32 $0xFFFFFEF7, lr;
	s5 =	simm.s32 $0xFFFFFFFF;
	p2 =	slt.u32 s8, $0xFFFFF086  }
0x1c: {  	p1 =	slt.u32 s9, $0xF7A;
	s5 =	simm.s32 @!p2 $0x0  }
0x1d: {  	s5 =	simm.s32 @p1 $0x1;
	p0 =	seq.s32 s7, s2  }
0x1e: {  	s7 =	smul.u32 @!p0 $0xF7A, s2;
	p2 =	seq.s32 @!p0 s5, $0x0  }
0x1f: {  	s9 =	smul.u32 $0xF7A, s1;
	s8 =	simm.s32 @!p0 $0x1BF5;
	p2 =	por !p2, p0  }
0x20: {  	[sflag:s8] =	ssyncset.s32 @!p0 $0xFFFFF086;
	s6 =	sadd.s32 @!p0 s3, s7;
	s7 =	simm.s32 @!p0 $0x108  }
0x21: {  	s3 =	sadd.s32 s3, s9;
	s6 =	sadd.s32 @!p0 $0x88, s6;
	s7 =	simm.s32 @p2 $0x1082  }
0x22: {  	[simem:s7], [sflag:s8] =	dma.local @!p0 [hbm:s6], $0xF7A  }
0x23: {  	s9 =	sor.u32 $0xD0000000, s2;
	s6 =	simm.s32 $0x108;
	_ =	swait.ge @!p0 [sflag:s8], $0x0  }
0x24: {  	s3 =	sadd.s32 $0x88, s3;
	s6 =	simm.s32 @!p1 $0x1082;
	[sflag:s4] =	ssyncset.s32 $0xFFFFF086  }
0x25: {  	[simem:s6], [sflag:s4] =	dma.local [hbm:s3], $0xF7A  }
0x26: {  	[smem:$0x3F9D] =	sst s1;
	(tag) =	ssettag s2;
	_ =	strace s9  }
0x27: {  	s1 =	sld [smem:$0x3FAD]  }
0x28: {  	s2 =	sld [smem:$0x3FAE]  }
0x29: {  	s4 =	sld [smem:$0x3FB0]  }
0x2a: {  	p0 =	seq.s32 s5, $0x0;
	s5 =	sld [smem:$0x3FB1]  }
0x2b: {  	s6 =	sld [smem:$0x3FB2]  }
0x2c: {  	s7 =	sld [smem:$0x3FB3]  }
0x2d: {  	s3 =	simm.s32 $0x108;
	s8 =	sld [smem:$0x3FB4]  }
0x2e: {  	s3 =	simm.s32 @!p0 $0x1082;
	s9 =	sld [smem:$0x3FB5]  }
0x2f: {  	lr =	sadd.s32 s0, s3;
	s0 =	sld [smem:$0x3FAC]  }
0x30: {  	s3 =	sld [smem:$0x3FAF]  }
0x31: {  	[smem:$0x3FB8] =	sst s10  }
0x32: {  	s10 =	sld [smem:$0x3FB6];
	_ =	sdelay $0x3  }
0x33: {  	p0 =	seq.s32 s10, $0x1;
	s10 =	sld [smem:$0x3FB8];
	_ =	sdelay $0x3  }
0x34: {  	[smem:$0x3FB8] =	sst s10  }
0x35: {  	s10 =	sld [smem:$0x3FB7];
	_ =	sdelay $0x3  }
0x36: {  	p1 =	seq.s32 s10, $0x1;
	s10 =	sld [smem:$0x3FB8];
	_ =	sdelay $0x3  }
0x37: {  	[smem:$0x3FB8] =	sst s10  }
0x38: {  	s10 =	sld [smem:$0x3FB9]  }
0x39: {  	_ = 	snop;
	(pc) =	sbr.ind lr, $3  }
0x3a: {  	_ = 	snop  }
0x3b: {  	_ = 	snop  }
0x3c: {  	p2 =	seq.s32 s10, $0x1;
	s10 =	sld [smem:$0x3FB8]  }
0x3d: {  	_ =	shalt  }
0x3e: {  	_ =	shalt  }
0x3f: {  	_ =	shalt  }
0x40: {  	_ =	shalt  }
0x41: {  	_ =	shalt  }
0x42: {  	_ =	shalt  }
0x43: {  	_ =	shalt  }
0x44: {  	_ =	shalt  }
0x45: {  	_ =	shalt  }
0x46: {  	_ =	shalt  }
0x47: {  	_ =	shalt  }
0x48: {  	_ =	shalt  }
0x49: {  	_ =	shalt  }
0x4a: {  	_ =	shalt  }
0x4b: {  	_ =	shalt  }
0x4c: {  	_ =	shalt  }
0x4d: {  	_ =	shalt  }
0x4e: {  	_ =	shalt  }
0x4f: {  	_ =	shalt  }
0x50: {  	_ =	shalt  }
0x51: {  	_ =	shalt  }
0x52: {  	_ =	shalt  }
0x53: {  	_ =	shalt  }
0x54: {  	_ =	shalt  }
0x55: {  	_ =	shalt  }
0x56: {  	_ =	shalt  }
0x57: {  	_ =	shalt  }
0x58: {  	_ =	shalt  }
0x59: {  	_ =	shalt  }
0x5a: {  	_ =	shalt  }
0x5b: {  	_ =	shalt  }
0x5c: {  	_ =	shalt  }
0x5d: {  	_ =	shalt  }
0x5e: {  	_ =	shalt  }
0x5f: {  	_ =	shalt  }
0x60: {  	_ =	shalt  }
0x61: {  	_ =	shalt  }
0x62: {  	_ =	shalt  }
0x63: {  	_ =	shalt  }
0x64: {  	_ =	shalt  }
0x65: {  	_ =	shalt  }
0x66: {  	_ =	shalt  }
0x67: {  	_ =	shalt  }
0x68: {  	_ =	shalt  }
0x69: {  	_ =	shalt  }
0x6a: {  	_ =	shalt  }
0x6b: {  	_ =	shalt  }
0x6c: {  	_ =	shalt  }
0x6d: {  	_ =	shalt  }
0x6e: {  	_ =	shalt  }
0x6f: {  	_ =	shalt  }
0x70: {  	_ =	shalt  }
0x71: {  	_ =	shalt  }
0x72: {  	_ =	shalt  }
0x73: {  	_ =	shalt  }
0x74: {  	_ =	shalt  }
0x75: {  	_ =	shalt  }
0x76: {  	_ =	shalt  }
0x77: {  	_ =	shalt  }
0x78: {  	_ =	shalt  }
0x79: {  	_ =	shalt  }
0x7a: {  	_ =	shalt  }
0x7b: {  	_ =	shalt  }
0x7c: {  	_ =	shalt  }
0x7d: {  	_ =	shalt  }
0x7e: {  	_ =	shalt  }
0x7f: {  	_ =	shalt  }
0x80: {  	_ =	shalt  }
0x81: {  	_ =	shalt  }
0x82: {  	_ =	shalt  }
0x83: {  	_ =	shalt  }
0x84: {  	_ =	shalt  }
0x85: {  	_ =	shalt  }
0x86: {  	_ =	shalt  }
0x87: {  	_ =	shalt  }
.Lfunc_end0:
.L_simem_size_0:
called_computation_lowered:
.L_overlay_start_0:
0x88: {  	s2 =	sld [smem:$0x3FD9]  }
0x89: {  	s3 =	sld [smem:$0x3FFE];
	_ =	sdelay $0x1  }
0x8a: {  	s1 =	srdreg.scid  }
0x8b: {  	s0 =	sand.u32 $0x1, s1  }
0x8c: {  	s17 =	sshll.u32 s0, $0xA;
	s2 =	sadd.s32 s3, s2  }
0x8d: {  	s2 =	sadd.s32 s2, s17  }
0x8e: {  	[smem:$0x3FC4] =	sst s2  }
0x8f: {  	_ = 	snop  }
0x90: {  	s2 =	sld [smem:$0x3FC8]  }
0x91: {  	s18 =	sld [smem:$0x3FC6];
	(tm) =	ssettm $0x1  }
0x92: {  	s4 =	sld [smem:$0x3FFB];
	_ =	sdelay $0x3  }
0x93: {  	_ =	strace s4  }
0x94: {  	s4 =	sld [smem:$0x3FFC];
	_ =	sdelay $0x3  }
0x95: {  	_ =	strace s4  }
0x96: {  	s4 =	sld [smem:$0x3FFD];
	_ =	sdelay $0x3  }
0x97: {  	_ =	strace s4  }
0x98: {  	_ =	strace $0x8FFFFFFF  }
0x99: {  	s19 =	sld [smem:$0x3FDB];
	_ =	sdelay $0x1  }
0x9a: {  	s5 =	simm.s32 $_scs_section_size  }
0x9b: {  	s6 =	simm.s32 $_size__tile_overlayer_lowered;
	s7 =	simm.s32 $_tile_overlayer_lowered  }
0x9c: {  	s22 =	simm.s32 $0x1BFF;
	s21 =	sshll.u32 s7, $0x1;
	s4 =	sadd.s32 s5, s19  }
0x9d: {  	s8 =	simm.s32 $0x0;
	s20 =	sshll.u32 s6, $0x1;
	s6 =	sadd.s32 s21, s4  }
0x9e: {  	[timem:s8], [sflag:s22] =	dma.local [hbm:s6], s20  }
0x9f: {  	_ =	swait.ge [sflag:s22], s20  }
0xa0: {  	s5 =	ssub.s32 $0x0, s20;
	[sflag:s22] =	ssyncset.done $0x0  }
0xa1: {  	[sflag:s22] =	ssyncadd.s32 s5;
	_ =	sdelay $0x1  }
0xa2: {  	s23 =	simm.s32 $0x1B8B  }
0xa3: {  	_ =	swait.ge [sflag:s23], $0x1  }
0xa4: {  	[sflag:s23] =	ssyncset.done $0x0  }
0xa5: {  	s25 =	simm.s32 $0x1B8E;
	s24 =	sld [smem:$0x3FFE];
	[sflag:s23] =	ssyncadd.s32 $0xFFFFFFFF  }
0xa6: {  	s26 =	simm.s32 $execute0_lowered;
	[smem:$0x3FD2] =	sst s25  }
0xa7: {  	s6 =	sshll.u32 s26, $0x1;
	_ =	strace $0x80000046;
	[dreg:$0x1] =	wrdreg $0xFFFFFFFF  }
0xa8: {  	s28 =	simm.s32 $_size_execute0_lowered;
	s4 =	sadd.s32 s4, s6;
	[dreg:$0x0] =	wrdreg $0x0  }
0xa9: {  	s6 =	sshll.u32 s28, $0x1;
	[dreg:$0x2] =	wrdreg s4  }
0xaa: {  	[dreg:$0x3] =	wrdreg s6  }
0xab: {  	[dreg:$0x4] =	wrdreg $0xC0  }
0xac: {  	_ =	task [dreg:s8], $0x5FFFF  }
0xad: {  	[dreg:$0x1] =	wrdreg $0xFFFFFFFF  }
0xae: {  	[dreg:$0x0] =	wrdreg $0x60  }
0xaf: {  	[dreg:$0x2] =	wrdreg s24  }
0xb0: {  	[dreg:$0x3] =	wrdreg s18  }
0xb1: {  	[dreg:$0x4] =	wrdreg s2  }
0xb2: {  	[dreg:$0x5] =	wrdreg $0x12E400  }
0xb3: {  	[dreg:$0x6] =	wrdreg $0x17E400  }
0xb4: {  	[dreg:$0x7] =	wrdreg $0x9  }
0xb5: {  	_ =	task.clear_ibuf [dreg:s8], $0x8FFFF;
	_ =	strace $0x90000046  }
0xb6: {  	s29 =	simm.s32 $0x9;
	_ =	strace $0x80000048  }
0xb7: {  	_ =	swait.ge [sflag:s29], $0x1  }
0xb8: {  	[sflag:s29] =	ssyncadd.s32 $0xFFFFFFFF  }
0xb9: {  	_ =	strace $0x90000048  }
0xba: {  	_ =	sfence  }
0xbb: {  	s30 =	sld [smem:$0x0];
	_ =	sdelay $0x2  }
0xbc: {  	s31 =	sshll.u32 s1, $0xD;
	s1 =	sshrl.u32 s1, $0x2  }
0xbd: {  	s3 =	sand.u32 $0x4000, s31;
	s1 =	sadd.s32 s1, s30  }
0xbe: {  	s0 =	sor.u32 s3, s0;
	s1 =	sshll.u32 s1, $0x11  }
0xbf: {  	s0 =	sor.u32 s1, s0  }
0xc0: {  	s0 =	sadd.s32 $0x8F2B, s0  }
0xc1: {  	[sflag:s0] =	ssyncadd.remote.s32 $0x1  }
0xc2: {  	_ =	sfence.sel $0xFFFF  }
0xc3: {  	[dreg:$0x0] =	wrdreg $0xFFFFFFFF;
	(pc) =	sbr.abs _section_cstart, $3  }
0xc4: {  	[dreg:$0x1] =	wrdreg $0xFFFFFFFF  }
0xc5: {  	_ =	task.clear_ibuf [dreg:s8], $0x2FFFF;
	_ =	strace $0x9FFFFFFF  }
0xc6: {  	(tm) =	ssettm $0x7FFFFFFF  }
0xc7: {  	_ =	shalt  }
tec
execute0_lowered:
.L_overlay_start_1:
0x0: {  	(tag) =	ssettag $0x1  }
0x1: {  	s0 =	rddreg [dreg:$0x0]  }
0x2: {  	s1 =	rddreg [dreg:$0x1]  }
0x3: {  	s3 =	rddreg [dreg:$0x3]  }
0x4: {  	s4 =	rddreg [dreg:$0x4]  }
0x5: {  	s2 =	srdreg.scid;
	[dreg:$0x6] =	wrdreg s1  }
0x6: {  	s17 =	stileid.u32;
	s1 =	rddreg [dreg:$0x2]  }
0x7: {  	s5 =	sand.u32 $0x1, s2;
	s18 =	sshll.u32 s17, $0x1;
	s2 =	simm.s32 $0x0  }
0x8: {  	p0 =	slt.u32 s17, $0x2;
	s10 =	sadd.s32 $0x4400, s0;
	s11 =	smul.u32 $0x140, s17  }
0x9: {  	s20 =	smul.u32 $0x14000, s17;
	s9 =	sor.u32 s5, s18;
	s18 =	rddreg [dreg:$0x5]  }
0xa: {  	s19 =	sadd.s32 $0x5200, s0;
	s22 =	smul.u32 $0x5000, s17;
	[smem:$0x7FF] =	sst s2  }
0xb: {  	s12 =	smul.u32 $0x1400, s5;
	_ =	strace $0x80000047;
	[dreg:$0x7] =	wrdreg s10  }
0xc: {  	s21 =	sadd.s32 $0x4E00, s0;
	s6 =	smul.u32 $0x6, s9;
	[dreg:$0x8] =	wrdreg s19  }
0xd: {  	s5 =	ssub.s32 $0x2, s5;
	s8 =	smul.u32 $0x7, s9;
	[dreg:$0x9] =	wrdreg s21  }
0xe: {  	s14 =	sshrl.u32 s20, $0x2;
	s9 =	sshll.u32 s9, $0x2;
	s11 =	sadd.s32 s11, s12  }
0xf: {  	s24 =	sadd.s32 s14, s3;
	s12 =	sshrl.u32 s22, $0x2;
	s1 =	sadd.s32 s1, s9  }
0x10: {  	s14 =	simm.s32 $0x8000;
	s7 =	sadd.s32 $0x4, s6;
	s6 =	sadd.s32 $0x187600, s0  }
0x11: {  	s23 =	sshll.u32 s11, $0x3;
	s11 =	sshll.u32 s11, $0x1;
	[dreg:$0xa] =	wrdreg s24  }
0x12: {  	s25 =	sadd.s32 s12, s4;
	s24 =	sshrl.u32 s5, $0x1;
	[dreg:$0x14] =	wrdreg s1  }
0x13: {  	s7 =	smov.u32 @p0 s8;
	s11 =	sadd.s32 s11, s0;
	[dreg:$0xb] =	wrdreg s25  }
0x14: {  	s25 =	ssub.s32 s5, s24;
	s24 =	simm.s32 $0x10200;
	s8 =	sshll.u32 s7, $0x6  }
0x15: {  	s28 =	sadd.s32 $0x1, s7;
	s29 =	sadd.s32 $0x2, s7;
	s30 =	sadd.s32 $0x3, s7  }
0x16: {  	s31 =	sadd.s32 $0x4, s7;
	s15 =	sshll.u32 s7, $0xC;
	s16 =	sadd.s32 $0x5, s7  }
0x17: {  	s7 =	sadd.s32 $0x6, s7;
	s8 =	sand.u32 $0x1FFFFFC0, s8;
	p3 =	seq.s32 s28, $0xC3  }
0x18: {  	p1 =	seq.s32 s29, $0xC3;
	p2 =	seq.s32 s30, $0xC3;
	p0 =	seq.s32 s31, $0xC3  }
0x19: {  	s15 =	sand.u32 $0x1FFFF000, s15;
	s12 =	sshll.u32 s28, $0xC;
	s10 =	sshll.u32 s30, $0xC  }
0x1a: {  	s20 =	sshll.u32 s31, $0xC;
	s21 =	sshll.u32 s16, $0xC;
	s22 =	sshll.u32 s7, $0xC  }
0x1b: {  	s28 =	sshll.u32 s17, $0x6;
	s30 =	smax.u32 s25, $0x1;
	s31 =	simm.s32 $0x20  }
0x1c: {  	s13 =	sadd.s32 s8, s0;
	s8 =	sadd.s32 s23, s0;
	s15 =	sadd.s32 s6, s15  }
0x1d: {  	s12 =	sand.u32 $0x1FFFF000, s12;
	s10 =	sand.u32 $0x1FFFF000, s10;
	s0 =	sadd.s32 s9, s0  }
0x1e: {  	s5 =	sor.u32 $0x1C05, s28;
	s9 =	simm.s32 $0x10600;
	[dreg:$0x18] =	wrdreg s31  }
0x1f: {  	s26 =	sadd.s32 $0xC00, s13;
	[dreg:$0xd] =	wrdreg s15;
	s13 =	sshll.u32 s29, $0xC  }
0x20: {  	s12 =	simm.s32 @p3 $0xC2500;
	s10 =	simm.s32 @p2 $0xC2500;
	s0 =	sadd.s32 $0x1E600, s0  }
0x21: {  	s29 =	sadd.s32 $0x5600, s11;
	s11 =	simm.s32 $0x10E00;
	[dreg:$0xc] =	wrdreg s26  }
0x22: {  	s15 =	simm.s32 $0x12E20;
	s13 =	sand.u32 $0x1FFFF000, s13;
	[dreg:$0x15] =	wrdreg s0  }
0x23: {  	s12 =	sadd.s32 s6, s12;
	s10 =	sadd.s32 s6, s10;
	[dreg:$0x17] =	wrdreg s29  }
0x24: {  	s26 =	sadd.s32 $0xA600, s8;
	s0 =	sadd.s32 $0xFFFFFFFF, s30;
	[dreg:$0xe] =	wrdreg s12  }
0x25: {  	s13 =	simm.s32 @p1 $0xC2500;
	p1 =	seq.s32 s16, $0xC3;
	[dreg:$0x10] =	wrdreg s10  }
0x26: {  	s10 =	sand.u32 $0x1FFFF000, s20;
	s12 =	sand.u32 $0x1FFFF000, s21;
	[dreg:$0x16] =	wrdreg s26  }
0x27: {  	s20 =	simm.s32 $0x10000;
	s16 =	simm.s32 $0x2;
	s21 =	simm.s32 $0x10800  }
0x28: {  	p2 =	sne.s32 s0, $0x0;
	s19 =	sadd.s32 s6, s13;
	s10 =	simm.s32 @p0 $0xC2500  }
0x29: {  	s12 =	simm.s32 @p1 $0xC2500;
	p0 =	seq.s32 s7, $0xC3;
	s7 =	sand.u32 $0x1FFFF000, s22  }
0x2a: {  	s13 =	simm.s32 $0x1;
	s22 =	simm.s32 $0x3;
	p1 =	por $0x0, $0x0  }
.Ltmp0:
0x2b: {  	[dreg:$0xf] =	wrdreg s19;
	s10 =	sadd.s32 s6, s10;
	(pc) =	sbr.rel @!p2 .LBB2_5-.Ltmp0, $4  }
0x2c: {  	s23 =	sadd.s32 s6, s12;
	s7 =	simm.s32 @p0 $0xC2500;
	p0 =	sgt.u32 s17, $0x1  }
0x2d: {  	s12 =	simm.s32 $0x200;
	s19 =	simm.s32 $0x12E00;
	[dreg:$0x11] =	wrdreg s10  }
0x2e: {  	[dreg:$0x12] =	wrdreg s23;
	s6 =	sadd.s32 s6, s7;
	s23 =	simm.s32 $0x10400  }
0x2f: {  	s10 =	simm.s32 $0x4;
	[dreg:$0x13] =	wrdreg s6;
	s6 =	simm.s32 $0x5  }
0x30: {  	s26 =	rddreg [dreg:$0xa]  }
0x31: {  	s1 =	rddreg [dreg:$0x7];
	s17 =	sshrl.u32 s26, $0x3  }
0x32: {  	[spmem:s17], [sflag:s5] =	dma.local [hbm:s1], $0xA00  }
0x33: {  	_ =	swait.ge [sflag:s6], $0xA00  }
0x34: {  	s7 =	rddreg [dreg:$0xb];
	[sflag:s6] =	ssyncset.done $0x0  }
0x35: {  	s8 =	rddreg [dreg:$0x8];
	[sflag:s6] =	ssyncadd.s32 $0xFFFFF600;
	s15 =	sshrl.u32 s7, $0x3  }
0x36: {  	[spmem:s15], [sflag:s5] =	dma.local [hbm:s8], $0x280  }
0x37: {  	_ =	swait.ge [sflag:s6], $0x280  }
0x38: {  	[sflag:s6] =	ssyncset.done $0x0  }
0x39: {  	s19 =	rddreg [dreg:$0x9];
	[sflag:s6] =	ssyncadd.s32 $0xFFFFFD80  }
0x3a: {  	[tilespmem:s11], [sflag:$0x5] =	stream.linear.gather [hbm4b:s19+s2], $0x2000, $0x38;
	[tilespmem:$0x19240] =	vst v63  }
0x3b: {  	_ =	swait.ge [sflag:s6], $0x2000  }
0x3c: {  	[sflag:s6] =	ssyncset.done $0x0  }
0x3d: {  	s22 =	rddreg [dreg:$0xc];
	[sflag:s6] =	ssyncadd.s32 $0xFFFFE000  }
0x3e: {  	[tilespmem:s20], [sflag:$0x5] =	stream.linear.gather [hbm4b:s22+s2], $0xE00, $0x38;
	[tilespmem:$0x19240] =	vst v63  }
0x3f: {  	_ =	swait.ge [sflag:s6], $0xE00  }
0x40: {  	[sflag:s6] =	ssyncset.done $0x0  }
0x41: {  	[sflag:s6] =	ssyncadd.s32 $0xFFFFF200  }
0x42: {  	[bflag:$0x0] =	sbarrier.arrive $0xFFFF  }
0x43: {  	s25 =	rddreg [dreg:$0xd]  }
0x44: {  	[tilespmem:s2], [sflag:$0x1] =	stream.linear.gather [hbm4b:s25+s2], $0x8000, $0x38;
	[tilespmem:$0x19240] =	vst v63  }
0x45: {  	s26 =	rddreg [dreg:$0xe]  }
0x46: {  	[tilespmem:s14], [sflag:$0x2] =	stream.linear.gather [hbm4b:s26+s2], $0x8000, $0x38;
	[tilespmem:$0x19240] =	vst v63  }
0x47: {  	_ =	swait.ge [sflag:s13], $0x8000  }
0x48: {  	[sflag:s13] =	ssyncset.done $0x0  }
0x49: {  	[sflag:s13] =	ssyncadd.s32 $0xFFFF8000  }
0x4a: {  	[spmem:s4] =	stream.indirect.scatter.add.f32 [tilespmem:s11], [sflag:$0x4], $0x10, s20, s12, $0xb8;
	[tilespmem:$0x19240] =	vst v63  }
0x4b: {  	_ = 	snop  }
0x4c: {  	[spmem:s3] =	stream.indirect.scatter.add.f32 [tilespmem:s2], [sflag:$0x5], $0x40, s20, s12, $0xb8;
	[tilespmem:$0x19240] =	vst v63  }
0x4d: {  	_ =	swait.ge [sflag:s6], $0x8000  }
0x4e: {  	[sflag:s6] =	ssyncset.done $0x0  }
0x4f: {  	s7 =	rddreg [dreg:$0xf];
	[sflag:s6] =	ssyncadd.s32 $0xFFFF8000  }
0x50: {  	[tilespmem:s2], [sflag:$0x1] =	stream.linear.gather [hbm4b:s7+s2], $0x8000, $0x38;
	[tilespmem:$0x19240] =	vst v63  }
0x51: {  	_ =	swait.ge [sflag:s16], $0x8000  }
0x52: {  	[sflag:s16] =	ssyncset.done $0x0  }
0x53: {  	[sflag:s16] =	ssyncadd.s32 $0xFFFF8000  }
0x54: {  	[spmem:s4] =	stream.indirect.scatter.add.f32 [tilespmem:s11], [sflag:$0x4], $0x10, s24, s12, $0xb8;
	[tilespmem:$0x19240] =	vst v63  }
0x55: {  	_ = 	snop  }
0x56: {  	[spmem:s3] =	stream.indirect.scatter.add.f32 [tilespmem:s14], [sflag:$0x5], $0x40, s24, s12, $0xb8;
	[tilespmem:$0x19240] =	vst v63  }
0x57: {  	_ =	swait.ge [sflag:s6], $0x8000  }
0x58: {  	[sflag:s6] =	ssyncset.done $0x0  }
0x59: {  	s8 =	rddreg [dreg:$0x10];
	[sflag:s6] =	ssyncadd.s32 $0xFFFF8000  }
0x5a: {  	[tilespmem:s14], [sflag:$0x2] =	stream.linear.gather [hbm4b:s8+s2], $0x8000, $0x38;
	[tilespmem:$0x19240] =	vst v63  }
0x5b: {  	_ =	swait.ge [sflag:s13], $0x8000  }
0x5c: {  	[sflag:s13] =	ssyncset.done $0x0  }
0x5d: {  	[sflag:s13] =	ssyncadd.s32 $0xFFFF8000  }
0x5e: {  	[spmem:s4] =	stream.indirect.scatter.add.f32 [tilespmem:s11], [sflag:$0x4], $0x10, s23, s12, $0xb8;
	[tilespmem:$0x19240] =	vst v63  }
0x5f: {  	_ = 	snop  }
0x60: {  	[spmem:s3] =	stream.indirect.scatter.add.f32 [tilespmem:s2], [sflag:$0x5], $0x40, s23, s12, $0xb8;
	[tilespmem:$0x19240] =	vst v63  }
0x61: {  	_ =	swait.ge [sflag:s6], $0x8000  }
0x62: {  	[sflag:s6] =	ssyncset.done $0x0  }
0x63: {  	s19 =	rddreg [dreg:$0x11];
	[sflag:s6] =	ssyncadd.s32 $0xFFFF8000  }
0x64: {  	[tilespmem:s2], [sflag:$0x1] =	stream.linear.gather [hbm4b:s19+s2], $0x8000, $0x38;
	[tilespmem:$0x19240] =	vst v63  }
0x65: {  	_ =	swait.ge [sflag:s16], $0x8000  }
0x66: {  	[sflag:s16] =	ssyncset.done $0x0  }
0x67: {  	[sflag:s16] =	ssyncadd.s32 $0xFFFF8000  }
0x68: {  	[spmem:s4] =	stream.indirect.scatter.add.f32 [tilespmem:s11], [sflag:$0x4], $0x10, s9, s12, $0xb8;
	[tilespmem:$0x19240] =	vst v63  }
0x69: {  	_ = 	snop  }
0x6a: {  	[spmem:s3] =	stream.indirect.scatter.add.f32 [tilespmem:s14], [sflag:$0x5], $0x40, s9, s12, $0xb8;
	[tilespmem:$0x19240] =	vst v63  }
0x6b: {  	_ =	swait.ge [sflag:s6], $0x8000  }
0x6c: {  	[sflag:s6] =	ssyncset.done $0x0  }
0x6d: {  	s22 =	rddreg [dreg:$0x12];
	[sflag:s6] =	ssyncadd.s32 $0xFFFF8000  }
0x6e: {  	[tilespmem:s14], [sflag:$0x2] =	stream.linear.gather [hbm4b:s22+s2], $0x8000, $0x38;
	[tilespmem:$0x19240] =	vst v63  }
0x6f: {  	_ =	swait.ge [sflag:s13], $0x8000  }
0x70: {  	[sflag:s13] =	ssyncset.done $0x0  }
0x71: {  	[sflag:s13] =	ssyncadd.s32 $0xFFFF8000  }
0x72: {  	[spmem:s4] =	stream.indirect.scatter.add.f32 [tilespmem:s11], [sflag:$0x4], $0x10, s21, s12, $0xb8;
	[tilespmem:$0x19240] =	vst v63  }
0x73: {  	_ = 	snop  }
0x74: {  	[spmem:s3] =	stream.indirect.scatter.add.f32 [tilespmem:s2], [sflag:$0x5], $0x40, s21, s12, $0xb8;
	[tilespmem:$0x19240] =	vst v63  }
0x75: {  	_ =	swait.ge [sflag:s6], $0x8000  }
0x76: {  	[sflag:s6] =	ssyncset.done $0x0  }
0x77: {  	s21 =	simm.s32 @p0 $0x2;
	[sflag:s6] =	ssyncadd.s32 $0xFFFF8000  }
0x78: {  	_ =	swait.ge @p0 [sflag:s21], $0x8000  }
0x79: {  	s18 =	smov.u32 s0;
	s0 =	simm.s32 @p0 $0x10E00;
	[sflag:s21] =	ssyncset.done @p0 $0x0  }
0x7a: {  	s1 =	simm.s32 @p0 $0x200;
	s8 =	simm.s32 @p0 $0x10A00;
	[sflag:s21] =	ssyncadd.s32 @p0 $0xFFFF8000  }
0x7b: {  	[spmem:s4] =	stream.indirect.scatter.add.f32 @p0 [tilespmem:s0], [sflag:$0x4], $0x10, s8, s1, $0xb8;
	[tilespmem:$0x19240] =	vst v63  }
0x7c: {  	s7 =	simm.s32 @p0 $0x8000  }
0x7d: {  	[spmem:s3] =	stream.indirect.scatter.add.f32 @p0 [tilespmem:s7], [sflag:$0x5], $0x40, s8, s1, $0xb8;
	[tilespmem:$0x19240] =	vst v63  }
0x7e: {  	s28 =	simm.s32 @!p0 $0x2;
	s26 =	simm.s32 @!p0 $0x0;
	s0 =	rddreg [dreg:$0x13]  }
0x7f: {  	[tilespmem:s26], [sflag:$0x1] =	stream.linear.gather @!p0 [hbm4b:s0+s26], $0x8000, $0x38;
	[tilespmem:$0x19240] =	vst v63  }
0x80: {  	_ =	swait.ge @!p0 [sflag:s28], $0x8000  }
0x81: {  	s29 =	simm.s32 @!p0 $0x10E00;
	[sflag:s28] =	ssyncset.done @!p0 $0x0  }
0x82: {  	s30 =	simm.s32 @!p0 $0x200;
	s31 =	simm.s32 @!p0 $0x10A00;
	[sflag:s28] =	ssyncadd.s32 @!p0 $0xFFFF8000  }
0x83: {  	[spmem:s4] =	stream.indirect.scatter.add.f32 @!p0 [tilespmem:s29], [sflag:$0x4], $0x10, s31, s30, $0xb8;
	[tilespmem:$0x19240] =	vst v63  }
0x84: {  	s1 =	simm.s32 @!p0 $0x8000;
	s0 =	simm.s32 @!p0 $0x5  }
0x85: {  	[spmem:s3] =	stream.indirect.scatter.add.f32 @!p0 [tilespmem:s1], [sflag:$0x5], $0x40, s31, s30, $0xb8;
	[tilespmem:$0x19240] =	vst v63  }
0x86: {  	_ =	swait.ge @!p0 [sflag:s0], $0x8000  }
0x87: {  	[sflag:s0] =	ssyncset.done @!p0 $0x0  }
0x88: {  	s22 =	simm.s32 @!p0 $0x1;
	[sflag:s0] =	ssyncadd.s32 @!p0 $0xFFFF8000  }
0x89: {  	_ =	swait.ge @!p0 [sflag:s22], $0x8000  }
0x8a: {  	[sflag:s22] =	ssyncset.done @!p0 $0x0  }
0x8b: {  	s25 =	simm.s32 @!p0 $0x10C00;
	[sflag:s22] =	ssyncadd.s32 @!p0 $0xFFFF8000  }
0x8c: {  	[spmem:s4] =	stream.indirect.scatter.add.f32 @!p0 [tilespmem:s29], [sflag:$0x4], $0x10, s25, s30, $0xb8;
	[tilespmem:$0x19240] =	vst v63  }
0x8d: {  	_ = 	snop  }
0x8e: {  	[spmem:s3] =	stream.indirect.scatter.add.f32 @!p0 [tilespmem:s26], [sflag:$0x5], $0x40, s25, s30, $0xb8;
	[tilespmem:$0x19240] =	vst v63  }
0x8f: {  	_ =	swait.ge [sflag:s6], $0x8000  }
0x90: {  	[sflag:s6] =	ssyncset.done $0x0  }
0x91: {  	[sflag:s6] =	ssyncadd.s32 $0xFFFF8000  }
0x92: {  	_ =	swait.ge [sflag:s10], $0x2000  }
0x93: {  	[sflag:s10] =	ssyncset.done $0x0  }
0x94: {  	[sflag:s10] =	ssyncadd.s32 $0xFFFFE000  }
0x95: {  	_ =	swait.ge [sflag:s10], $0x2000  }
0x96: {  	[sflag:s10] =	ssyncset.done $0x0  }
0x97: {  	[sflag:s10] =	ssyncadd.s32 $0xFFFFE000  }
0x98: {  	_ =	swait.ge [sflag:s10], $0x2000  }
0x99: {  	[sflag:s10] =	ssyncset.done $0x0  }
0x9a: {  	[sflag:s10] =	ssyncadd.s32 $0xFFFFE000  }
0x9b: {  	_ =	swait.ge [sflag:s10], $0x2000  }
0x9c: {  	[sflag:s10] =	ssyncset.done $0x0  }
0x9d: {  	[sflag:s10] =	ssyncadd.s32 $0xFFFFE000  }
0x9e: {  	_ =	swait.ge [sflag:s10], $0x2000  }
0x9f: {  	[sflag:s10] =	ssyncset.done $0x0  }
0xa0: {  	[sflag:s10] =	ssyncadd.s32 $0xFFFFE000  }
0xa1: {  	_ =	swait.ge [sflag:s10], $0x2000  }
0xa2: {  	[sflag:s10] =	ssyncset.done $0x0  }
0xa3: {  	s1 =	simm.s32 @!p0 $0x4;
	[sflag:s10] =	ssyncadd.s32 $0xFFFFE000  }
0xa4: {  	_ =	swait.ge @!p0 [sflag:s1], $0x2000  }
0xa5: {  	[sflag:s1] =	ssyncset.done @!p0 $0x0  }
0xa6: {  	s24 =	simm.s32 $0x12E00;
	s23 =	rddreg [dreg:$0x14];
	[sflag:s1] =	ssyncadd.s32 @!p0 $0xFFFFE000  }
0xa7: {  	[tilespmem:s24], [sflag:$0x5] =	stream.linear.gather [hbm4b:s23+s2], $0x20, $0x38;
	[tilespmem:$0x19240] =	vst v63  }
0xa8: {  	_ =	swait.ge [sflag:s6], $0x20  }
0xa9: {  	s19 =	simm.s32 $0x3;
	s8 =	rddreg [dreg:$0x6];
	[sflag:s6] =	ssyncset.done $0x0  }
0xaa: {  	s23 =	simm.s32 $0x12E20;
	s7 =	rddreg [dreg:$0x18];
	[sflag:s6] =	ssyncadd.s32 $0xFFFFFFE0  }
0xab: {  	[tilespmem:s23], [sflag:$0x3] =	stream.indirect.gather [hbm4b:s8+s7], $0x1, s24, s7, $0xb8;
	[tilespmem:$0x19240] =	vst v63  }
0xac: {  	_ =	swait.ge [sflag:s19], $0x20  }
0xad: {  	[sflag:s19] =	ssyncset.done $0x0  }
0xae: {  	s8 =	rddreg [dreg:$0x15];
	[sflag:s19] =	ssyncadd.s32 $0xFFFFFFE0  }
0xaf: {  	[hbm4b:s8+s2] =	stream.linear.scatter [tilespmem:s23], [sflag:$0x5], $0x20, $0x38;
	[tilespmem:$0x19240] =	vst v63  }
0xb0: {  	_ =	swait.ge [sflag:s6], $0x20  }
0xb1: {  	[sflag:s6] =	ssyncset.done $0x0  }
0xb2: {  	[sflag:s6] =	ssyncadd.s32 $0xFFFFFFE0  }
0xb3: {  	s7 =	sadd.s32 $0xFFFFFFFF, s18;
	[bflag:$0x0] =	sbarrier.arrive $0xFFFF  }
0xb4: {  	p2 =	sne.s32 s7, $0x0;
	s23 =	rddreg [dreg:$0x16]  }
0xb5: {  	[hbm:s23], [sflag:s5] =	dma.local [spmem:s17], $0xA00  }
.Ltmp1:
0xb6: {  	_ =	swait.ge [sflag:s6], $0xA00;
	(pc) =	sbr.rel @!p2 .LBB2_2-.Ltmp1, $4  }
0xb7: {  	[sflag:s6] =	ssyncset.done $0x0  }
0xb8: {  	s24 =	rddreg [dreg:$0x17];
	[sflag:s6] =	ssyncadd.s32 $0xFFFFF600  }
0xb9: {  	[hbm:s24], [sflag:s5] =	dma.local [spmem:s15], $0x280  }
0xba: {  	p1 =	por $0x1, $0x1;
	s9 =	simm.s32 $0x10600;
	_ =	swait.ge [sflag:s6], $0x280  }
.LBB2_3:
0xbb: {  	s8 =	rddreg [dreg:$0xa];
	[sflag:s6] =	ssyncset.done $0x0  }
0xbc: {  	s15 =	rddreg [dreg:$0x7];
	[sflag:s6] =	ssyncadd.s32 $0xFFFFFD80;
	s8 =	sshrl.u32 s8, $0x3  }
0xbd: {  	[spmem:s8], [sflag:s5] =	dma.local [hbm:s15], $0xA00  }
0xbe: {  	_ =	swait.ge [sflag:s6], $0xA00  }
0xbf: {  	[sflag:s6] =	ssyncset.done $0x0;
	s24 =	rddreg [dreg:$0xb]  }
0xc0: {  	s17 =	rddreg [dreg:$0x8];
	[sflag:s6] =	ssyncadd.s32 $0xFFFFF600;
	s15 =	sshrl.u32 s24, $0x3  }
0xc1: {  	[spmem:s15], [sflag:s5] =	dma.local [hbm:s17], $0x280  }
0xc2: {  	_ =	swait.ge [sflag:s6], $0x280  }
0xc3: {  	[sflag:s6] =	ssyncset.done $0x0  }
0xc4: {  	s18 =	rddreg [dreg:$0x9];
	[sflag:s6] =	ssyncadd.s32 $0xFFFFFD80  }
0xc5: {  	[tilespmem:s11], [sflag:$0x5] =	stream.linear.gather [hbm4b:s18+s2], $0x2000, $0x38;
	[tilespmem:$0x19240] =	vst v63  }
0xc6: {  	_ =	swait.ge [sflag:s6], $0x2000  }
0xc7: {  	[sflag:s6] =	ssyncset.done $0x0  }
0xc8: {  	s23 =	rddreg [dreg:$0xc];
	[sflag:s6] =	ssyncadd.s32 $0xFFFFE000  }
0xc9: {  	[tilespmem:s20], [sflag:$0x5] =	stream.linear.gather [hbm4b:s23+s2], $0xE00, $0x38;
	[tilespmem:$0x19240] =	vst v63  }
0xca: {  	_ =	swait.ge [sflag:s6], $0xE00  }
0xcb: {  	[sflag:s6] =	ssyncset.done $0x0  }
0xcc: {  	[sflag:s6] =	ssyncadd.s32 $0xFFFFF200  }
0xcd: {  	[bflag:$0x0] =	sbarrier.arrive $0xFFFF  }
0xce: {  	s24 =	rddreg [dreg:$0xd]  }
0xcf: {  	[tilespmem:s2], [sflag:$0x1] =	stream.linear.gather [hbm4b:s24+s2], $0x8000, $0x38;
	[tilespmem:$0x19240] =	vst v63  }
0xd0: {  	s18 =	rddreg [dreg:$0xe]  }
0xd1: {  	[tilespmem:s14], [sflag:$0x2] =	stream.linear.gather [hbm4b:s18+s2], $0x8000, $0x38;
	[tilespmem:$0x19240] =	vst v63  }
0xd2: {  	_ =	swait.ge [sflag:s13], $0x8000  }
0xd3: {  	[sflag:s13] =	ssyncset.done $0x0  }
0xd4: {  	[sflag:s13] =	ssyncadd.s32 $0xFFFF8000  }
0xd5: {  	[spmem:s4] =	stream.indirect.scatter.add.f32 [tilespmem:s11], [sflag:$0x4], $0x10, s20, s12, $0xb8;
	[tilespmem:$0x19240] =	vst v63  }
0xd6: {  	_ = 	snop  }
0xd7: {  	[spmem:s3] =	stream.indirect.scatter.add.f32 [tilespmem:s2], [sflag:$0x5], $0x40, s20, s12, $0xb8;
	[tilespmem:$0x19240] =	vst v63  }
0xd8: {  	_ =	swait.ge [sflag:s6], $0x8000  }
0xd9: {  	[sflag:s6] =	ssyncset.done $0x0  }
0xda: {  	s23 =	rddreg [dreg:$0xf];
	[sflag:s6] =	ssyncadd.s32 $0xFFFF8000  }
0xdb: {  	[tilespmem:s2], [sflag:$0x1] =	stream.linear.gather [hbm4b:s23+s2], $0x8000, $0x38;
	[tilespmem:$0x19240] =	vst v63  }
0xdc: {  	_ =	swait.ge [sflag:s16], $0x8000  }
0xdd: {  	[sflag:s16] =	ssyncset.done $0x0  }
0xde: {  	s24 =	simm.s32 $0x10200;
	[sflag:s16] =	ssyncadd.s32 $0xFFFF8000  }
0xdf: {  	[spmem:s4] =	stream.indirect.scatter.add.f32 [tilespmem:s11], [sflag:$0x4], $0x10, s24, s12, $0xb8;
	[tilespmem:$0x19240] =	vst v63  }
0xe0: {  	_ = 	snop  }
0xe1: {  	[spmem:s3] =	stream.indirect.scatter.add.f32 [tilespmem:s14], [sflag:$0x5], $0x40, s24, s12, $0xb8;
	[tilespmem:$0x19240] =	vst v63  }
0xe2: {  	_ =	swait.ge [sflag:s6], $0x8000  }
0xe3: {  	[sflag:s6] =	ssyncset.done $0x0  }
0xe4: {  	s18 =	rddreg [dreg:$0x10];
	[sflag:s6] =	ssyncadd.s32 $0xFFFF8000  }
0xe5: {  	[tilespmem:s14], [sflag:$0x2] =	stream.linear.gather [hbm4b:s18+s2], $0x8000, $0x38;
	[tilespmem:$0x19240] =	vst v63  }
0xe6: {  	_ =	swait.ge [sflag:s13], $0x8000  }
0xe7: {  	[sflag:s13] =	ssyncset.done $0x0  }
0xe8: {  	s23 =	simm.s32 $0x10400;
	[sflag:s13] =	ssyncadd.s32 $0xFFFF8000  }
0xe9: {  	[spmem:s4] =	stream.indirect.scatter.add.f32 [tilespmem:s11], [sflag:$0x4], $0x10, s23, s12, $0xb8;
	[tilespmem:$0x19240] =	vst v63  }
0xea: {  	_ = 	snop  }
0xeb: {  	[spmem:s3] =	stream.indirect.scatter.add.f32 [tilespmem:s2], [sflag:$0x5], $0x40, s23, s12, $0xb8;
	[tilespmem:$0x19240] =	vst v63  }
0xec: {  	_ =	swait.ge [sflag:s6], $0x8000  }
0xed: {  	[sflag:s6] =	ssyncset.done $0x0  }
0xee: {  	s24 =	rddreg [dreg:$0x11];
	[sflag:s6] =	ssyncadd.s32 $0xFFFF8000  }
0xef: {  	[tilespmem:s2], [sflag:$0x1] =	stream.linear.gather [hbm4b:s24+s2], $0x8000, $0x38;
	[tilespmem:$0x19240] =	vst v63  }
0xf0: {  	_ =	swait.ge [sflag:s16], $0x8000  }
0xf1: {  	[sflag:s16] =	ssyncset.done $0x0  }
0xf2: {  	[sflag:s16] =	ssyncadd.s32 $0xFFFF8000  }
0xf3: {  	[spmem:s4] =	stream.indirect.scatter.add.f32 [tilespmem:s11], [sflag:$0x4], $0x10, s9, s12, $0xb8;
	[tilespmem:$0x19240] =	vst v63  }
0xf4: {  	_ = 	snop  }
0xf5: {  	[spmem:s3] =	stream.indirect.scatter.add.f32 [tilespmem:s14], [sflag:$0x5], $0x40, s9, s12, $0xb8;
	[tilespmem:$0x19240] =	vst v63  }
0xf6: {  	_ =	swait.ge [sflag:s6], $0x8000  }
0xf7: {  	[sflag:s6] =	ssyncset.done $0x0  }
0xf8: {  	s18 =	rddreg [dreg:$0x12];
	[sflag:s6] =	ssyncadd.s32 $0xFFFF8000  }
0xf9: {  	[tilespmem:s14], [sflag:$0x2] =	stream.linear.gather [hbm4b:s18+s2], $0x8000, $0x38;
	[tilespmem:$0x19240] =	vst v63  }
0xfa: {  	_ =	swait.ge [sflag:s13], $0x8000  }
0xfb: {  	[sflag:s13] =	ssyncset.done $0x0  }
0xfc: {  	s23 =	simm.s32 $0x10800;
	[sflag:s13] =	ssyncadd.s32 $0xFFFF8000  }
0xfd: {  	[spmem:s4] =	stream.indirect.scatter.add.f32 [tilespmem:s11], [sflag:$0x4], $0x10, s23, s12, $0xb8;
	[tilespmem:$0x19240] =	vst v63  }
0xfe: {  	_ = 	snop  }
0xff: {  	[spmem:s3] =	stream.indirect.scatter.add.f32 [tilespmem:s2], [sflag:$0x5], $0x40, s23, s12, $0xb8;
	[tilespmem:$0x19240] =	vst v63  }
0x100: {  	_ =	swait.ge [sflag:s6], $0x8000  }
0x101: {  	[sflag:s6] =	ssyncset.done $0x0  }
0x102: {  	[sflag:s6] =	ssyncadd.s32 $0xFFFF8000  }
0x103: {  	_ =	swait.ge @p0 [sflag:s21], $0x8000  }
0x104: {  	s17 =	simm.s32 @p0 $0x10E00;
	[sflag:s21] =	ssyncset.done @p0 $0x0  }
0x105: {  	s24 =	simm.s32 @p0 $0x10A00;
	s18 =	simm.s32 @p0 $0x200;
	[sflag:s21] =	ssyncadd.s32 @p0 $0xFFFF8000  }
0x106: {  	[spmem:s4] =	stream.indirect.scatter.add.f32 @p0 [tilespmem:s17], [sflag:$0x4], $0x10, s24, s18, $0xb8;
	[tilespmem:$0x19240] =	vst v63  }
0x107: {  	s23 =	simm.s32 @p0 $0x8000  }
0x108: {  	[spmem:s3] =	stream.indirect.scatter.add.f32 @p0 [tilespmem:s23], [sflag:$0x5], $0x40, s24, s18, $0xb8;
	[tilespmem:$0x19240] =	vst v63  }
0x109: {  	s17 =	rddreg [dreg:$0x13]  }
0x10a: {  	[tilespmem:s26], [sflag:$0x1] =	stream.linear.gather @!p0 [hbm4b:s17+s26], $0x8000, $0x38;
	[tilespmem:$0x19240] =	vst v63  }
0x10b: {  	_ =	swait.ge @!p0 [sflag:s28], $0x8000  }
0x10c: {  	[sflag:s28] =	ssyncset.done @!p0 $0x0  }
0x10d: {  	[sflag:s28] =	ssyncadd.s32 @!p0 $0xFFFF8000  }
0x10e: {  	[spmem:s4] =	stream.indirect.scatter.add.f32 @!p0 [tilespmem:s29], [sflag:$0x4], $0x10, s31, s30, $0xb8;
	[tilespmem:$0x19240] =	vst v63  }
0x10f: {  	s17 =	simm.s32 @!p0 $0x8000  }
0x110: {  	[spmem:s3] =	stream.indirect.scatter.add.f32 @!p0 [tilespmem:s17], [sflag:$0x5], $0x40, s31, s30, $0xb8;
	[tilespmem:$0x19240] =	vst v63  }
0x111: {  	_ =	swait.ge @!p0 [sflag:s0], $0x8000  }
0x112: {  	[sflag:s0] =	ssyncset.done @!p0 $0x0  }
0x113: {  	[sflag:s0] =	ssyncadd.s32 @!p0 $0xFFFF8000  }
0x114: {  	_ =	swait.ge @!p0 [sflag:s22], $0x8000  }
0x115: {  	[sflag:s22] =	ssyncset.done @!p0 $0x0  }
0x116: {  	[sflag:s22] =	ssyncadd.s32 @!p0 $0xFFFF8000  }
0x117: {  	[spmem:s4] =	stream.indirect.scatter.add.f32 @!p0 [tilespmem:s29], [sflag:$0x4], $0x10, s25, s30, $0xb8;
	[tilespmem:$0x19240] =	vst v63  }
0x118: {  	_ = 	snop  }
0x119: {  	[spmem:s3] =	stream.indirect.scatter.add.f32 @!p0 [tilespmem:s26], [sflag:$0x5], $0x40, s25, s30, $0xb8;
	[tilespmem:$0x19240] =	vst v63  }
0x11a: {  	_ =	swait.ge [sflag:s6], $0x8000  }
0x11b: {  	[sflag:s6] =	ssyncset.done $0x0  }
0x11c: {  	[sflag:s6] =	ssyncadd.s32 $0xFFFF8000  }
0x11d: {  	_ =	swait.ge [sflag:s10], $0x2000  }
0x11e: {  	[sflag:s10] =	ssyncset.done $0x0  }
0x11f: {  	[sflag:s10] =	ssyncadd.s32 $0xFFFFE000  }
0x120: {  	_ =	swait.ge [sflag:s10], $0x2000  }
0x121: {  	[sflag:s10] =	ssyncset.done $0x0  }
0x122: {  	[sflag:s10] =	ssyncadd.s32 $0xFFFFE000  }
0x123: {  	_ =	swait.ge [sflag:s10], $0x2000  }
0x124: {  	[sflag:s10] =	ssyncset.done $0x0  }
0x125: {  	[sflag:s10] =	ssyncadd.s32 $0xFFFFE000  }
0x126: {  	_ =	swait.ge [sflag:s10], $0x2000  }
0x127: {  	[sflag:s10] =	ssyncset.done $0x0  }
0x128: {  	[sflag:s10] =	ssyncadd.s32 $0xFFFFE000  }
0x129: {  	_ =	swait.ge [sflag:s10], $0x2000  }
0x12a: {  	[sflag:s10] =	ssyncset.done $0x0  }
0x12b: {  	[sflag:s10] =	ssyncadd.s32 $0xFFFFE000  }
0x12c: {  	_ =	swait.ge [sflag:s10], $0x2000  }
0x12d: {  	[sflag:s10] =	ssyncset.done $0x0  }
0x12e: {  	[sflag:s10] =	ssyncadd.s32 $0xFFFFE000  }
0x12f: {  	_ =	swait.ge @!p0 [sflag:s1], $0x2000  }
0x130: {  	[sflag:s1] =	ssyncset.done @!p0 $0x0  }
0x131: {  	s23 =	simm.s32 $0x12E00;
	s24 =	rddreg [dreg:$0x14];
	[sflag:s1] =	ssyncadd.s32 @!p0 $0xFFFFE000  }
0x132: {  	[tilespmem:s23], [sflag:$0x5] =	stream.linear.gather [hbm4b:s24+s2], $0x20, $0x38;
	[tilespmem:$0x19240] =	vst v63  }
0x133: {  	_ =	swait.ge [sflag:s6], $0x20  }
0x134: {  	s17 =	rddreg [dreg:$0x6];
	[sflag:s6] =	ssyncset.done $0x0  }
0x135: {  	s24 =	simm.s32 $0x12E20;
	s18 =	rddreg [dreg:$0x18];
	[sflag:s6] =	ssyncadd.s32 $0xFFFFFFE0  }
0x136: {  	[tilespmem:s24], [sflag:$0x3] =	stream.indirect.gather [hbm4b:s17+s18], $0x1, s23, s18, $0xb8;
	[tilespmem:$0x19240] =	vst v63  }
0x137: {  	_ =	swait.ge [sflag:s19], $0x20  }
0x138: {  	[sflag:s19] =	ssyncset.done $0x0  }
0x139: {  	s18 =	rddreg [dreg:$0x15];
	[sflag:s19] =	ssyncadd.s32 $0xFFFFFFE0  }
0x13a: {  	[hbm4b:s18+s2] =	stream.linear.scatter [tilespmem:s24], [sflag:$0x5], $0x20, $0x38;
	[tilespmem:$0x19240] =	vst v63  }
0x13b: {  	_ =	swait.ge [sflag:s6], $0x20  }
0x13c: {  	[sflag:s6] =	ssyncset.done $0x0  }
0x13d: {  	[sflag:s6] =	ssyncadd.s32 $0xFFFFFFE0  }
0x13e: {  	s7 =	sadd.s32 $0xFFFFFFFF, s7;
	[bflag:$0x0] =	sbarrier.arrive $0xFFFF  }
0x13f: {  	p2 =	sne.s32 s7, $0x0;
	s23 =	rddreg [dreg:$0x16]  }
0x140: {  	[hbm:s23], [sflag:s5] =	dma.local [spmem:s8], $0xA00  }
.Ltmp2:
0x141: {  	_ =	swait.ge [sflag:s6], $0xA00;
	(pc) =	sbr.rel @p2 .LBB2_3-.Ltmp2, $4  }
0x142: {  	[sflag:s6] =	ssyncset.done $0x0  }
0x143: {  	s24 =	rddreg [dreg:$0x17];
	[sflag:s6] =	ssyncadd.s32 $0xFFFFF600  }
0x144: {  	[hbm:s24], [sflag:s5] =	dma.local [spmem:s15], $0x280  }
0x145: {  	_ =	swait.ge [sflag:s6], $0x280  }
0x146: {  	s17 =	stileid.u32;
	s18 =	rddreg [dreg:$0x5];
	s15 =	simm.s32 $0x12E20  }
0x147: {  	s19 =	simm.s32 $0x12E00;
	s21 =	simm.s32 $0x10800;
	s9 =	simm.s32 $0x10600  }
0x148: {  	s22 =	simm.s32 $0x3;
	s23 =	simm.s32 $0x10400;
	s24 =	simm.s32 $0x10200  }
.LBB2_5:
0x149: {  	s0 =	rddreg [dreg:$0xa];
	[sflag:s6] =	ssyncset.done @p1 $0x0  }
0x14a: {  	s1 =	rddreg [dreg:$0x7];
	[sflag:s6] =	ssyncadd.s32 @p1 $0xFFFFFD80;
	s0 =	sshrl.u32 s0, $0x3  }
0x14b: {  	[spmem:s0], [sflag:s5] =	dma.local [hbm:s1], $0xA00  }
0x14c: {  	_ =	swait.ge [sflag:s6], $0xA00  }
0x14d: {  	s28 =	rddreg [dreg:$0xb];
	[sflag:s6] =	ssyncset.done $0x0  }
0x14e: {  	s7 =	rddreg [dreg:$0x8];
	[sflag:s6] =	ssyncadd.s32 $0xFFFFF600;
	s1 =	sshrl.u32 s28, $0x3  }
0x14f: {  	[spmem:s1], [sflag:s5] =	dma.local [hbm:s7], $0x280  }
0x150: {  	_ =	swait.ge [sflag:s6], $0x280  }
0x151: {  	[sflag:s6] =	ssyncset.done $0x0  }
0x152: {  	s29 =	rddreg [dreg:$0x9];
	[sflag:s6] =	ssyncadd.s32 $0xFFFFFD80  }
0x153: {  	[tilespmem:s11], [sflag:$0x5] =	stream.linear.gather [hbm4b:s29+s2], $0x2000, $0x38;
	[tilespmem:$0x19240] =	vst v63  }
0x154: {  	_ =	swait.ge [sflag:s6], $0x2000  }
0x155: {  	[sflag:s6] =	ssyncset.done $0x0  }
0x156: {  	s30 =	rddreg [dreg:$0xc];
	[sflag:s6] =	ssyncadd.s32 $0xFFFFE000  }
0x157: {  	[tilespmem:s20], [sflag:$0x5] =	stream.linear.gather [hbm4b:s30+s2], $0xE00, $0x38;
	[tilespmem:$0x19240] =	vst v63  }
0x158: {  	_ =	swait.ge [sflag:s6], $0xE00  }
0x159: {  	[sflag:s6] =	ssyncset.done $0x0  }
0x15a: {  	[sflag:s6] =	ssyncadd.s32 $0xFFFFF200  }
0x15b: {  	[bflag:$0x0] =	sbarrier.arrive $0xFFFF  }
0x15c: {  	s31 =	rddreg [dreg:$0xd]  }
0x15d: {  	[tilespmem:s2], [sflag:$0x1] =	stream.linear.gather [hbm4b:s31+s2], $0x8000, $0x38;
	[tilespmem:$0x19240] =	vst v63  }
0x15e: {  	s8 =	rddreg [dreg:$0xe]  }
0x15f: {  	[tilespmem:s14], [sflag:$0x2] =	stream.linear.gather [hbm4b:s8+s2], $0x8000, $0x38;
	[tilespmem:$0x19240] =	vst v63  }
0x160: {  	_ =	swait.ge [sflag:s13], $0x8000  }
0x161: {  	[sflag:s13] =	ssyncset.done $0x0  }
0x162: {  	[sflag:s13] =	ssyncadd.s32 $0xFFFF8000  }
0x163: {  	[spmem:s4] =	stream.indirect.scatter.add.f32 [tilespmem:s11], [sflag:$0x4], $0x10, s20, s12, $0xb8;
	[tilespmem:$0x19240] =	vst v63  }
0x164: {  	_ = 	snop  }
0x165: {  	[spmem:s3] =	stream.indirect.scatter.add.f32 [tilespmem:s2], [sflag:$0x5], $0x40, s20, s12, $0xb8;
	[tilespmem:$0x19240] =	vst v63  }
0x166: {  	_ =	swait.ge [sflag:s6], $0x8000  }
0x167: {  	[sflag:s6] =	ssyncset.done $0x0  }
0x168: {  	s8 =	rddreg [dreg:$0xf];
	[sflag:s6] =	ssyncadd.s32 $0xFFFF8000  }
0x169: {  	[tilespmem:s2], [sflag:$0x1] =	stream.linear.gather [hbm4b:s8+s2], $0x8000, $0x38;
	[tilespmem:$0x19240] =	vst v63  }
0x16a: {  	_ =	swait.ge [sflag:s16], $0x8000  }
0x16b: {  	[sflag:s16] =	ssyncset.done $0x0  }
0x16c: {  	[sflag:s16] =	ssyncadd.s32 $0xFFFF8000  }
0x16d: {  	[spmem:s4] =	stream.indirect.scatter.add.f32 [tilespmem:s11], [sflag:$0x4], $0x10, s24, s12, $0xb8;
	[tilespmem:$0x19240] =	vst v63  }
0x16e: {  	_ = 	snop  }
0x16f: {  	[spmem:s3] =	stream.indirect.scatter.add.f32 [tilespmem:s14], [sflag:$0x5], $0x40, s24, s12, $0xb8;
	[tilespmem:$0x19240] =	vst v63  }
0x170: {  	_ =	swait.ge [sflag:s6], $0x8000  }
0x171: {  	[sflag:s6] =	ssyncset.done $0x0  }
0x172: {  	s20 =	rddreg [dreg:$0x10];
	[sflag:s6] =	ssyncadd.s32 $0xFFFF8000  }
0x173: {  	[tilespmem:s14], [sflag:$0x2] =	stream.linear.gather [hbm4b:s20+s2], $0x8000, $0x38;
	[tilespmem:$0x19240] =	vst v63  }
0x174: {  	_ =	swait.ge [sflag:s13], $0x8000  }
0x175: {  	[sflag:s13] =	ssyncset.done $0x0  }
0x176: {  	[sflag:s13] =	ssyncadd.s32 $0xFFFF8000  }
0x177: {  	[spmem:s4] =	stream.indirect.scatter.add.f32 [tilespmem:s11], [sflag:$0x4], $0x10, s23, s12, $0xb8;
	[tilespmem:$0x19240] =	vst v63  }
0x178: {  	_ = 	snop  }
0x179: {  	[spmem:s3] =	stream.indirect.scatter.add.f32 [tilespmem:s2], [sflag:$0x5], $0x40, s23, s12, $0xb8;
	[tilespmem:$0x19240] =	vst v63  }
0x17a: {  	_ =	swait.ge [sflag:s6], $0x8000  }
0x17b: {  	[sflag:s6] =	ssyncset.done $0x0  }
0x17c: {  	s23 =	rddreg [dreg:$0x11];
	[sflag:s6] =	ssyncadd.s32 $0xFFFF8000  }
0x17d: {  	[tilespmem:s2], [sflag:$0x1] =	stream.linear.gather [hbm4b:s23+s2], $0x8000, $0x38;
	[tilespmem:$0x19240] =	vst v63  }
0x17e: {  	_ =	swait.ge [sflag:s16], $0x8000  }
0x17f: {  	[sflag:s16] =	ssyncset.done $0x0  }
0x180: {  	[sflag:s16] =	ssyncadd.s32 $0xFFFF8000  }
0x181: {  	[spmem:s4] =	stream.indirect.scatter.add.f32 [tilespmem:s11], [sflag:$0x4], $0x10, s9, s12, $0xb8;
	[tilespmem:$0x19240] =	vst v63  }
0x182: {  	_ = 	snop  }
0x183: {  	[spmem:s3] =	stream.indirect.scatter.add.f32 [tilespmem:s14], [sflag:$0x5], $0x40, s9, s12, $0xb8;
	[tilespmem:$0x19240] =	vst v63  }
0x184: {  	_ =	swait.ge [sflag:s6], $0x8000  }
0x185: {  	[sflag:s6] =	ssyncset.done $0x0  }
0x186: {  	s24 =	rddreg [dreg:$0x12];
	[sflag:s6] =	ssyncadd.s32 $0xFFFF8000  }
0x187: {  	[tilespmem:s14], [sflag:$0x2] =	stream.linear.gather [hbm4b:s24+s2], $0x8000, $0x38;
	[tilespmem:$0x19240] =	vst v63  }
0x188: {  	_ =	swait.ge [sflag:s13], $0x8000  }
0x189: {  	[sflag:s13] =	ssyncset.done $0x0  }
0x18a: {  	[sflag:s13] =	ssyncadd.s32 $0xFFFF8000  }
0x18b: {  	[spmem:s4] =	stream.indirect.scatter.add.f32 [tilespmem:s11], [sflag:$0x4], $0x10, s21, s12, $0xb8;
	[tilespmem:$0x19240] =	vst v63  }
0x18c: {  	_ = 	snop  }
0x18d: {  	[spmem:s3] =	stream.indirect.scatter.add.f32 [tilespmem:s2], [sflag:$0x5], $0x40, s21, s12, $0xb8;
	[tilespmem:$0x19240] =	vst v63  }
0x18e: {  	_ =	swait.ge [sflag:s6], $0x8000  }
0x18f: {  	[sflag:s6] =	ssyncset.done $0x0  }
0x190: {  	s7 =	simm.s32 @p0 $0x2;
	[sflag:s6] =	ssyncadd.s32 $0xFFFF8000  }
0x191: {  	_ =	swait.ge @p0 [sflag:s7], $0x8000  }
0x192: {  	s8 =	simm.s32 @p0 $0x10E00;
	[sflag:s7] =	ssyncset.done @p0 $0x0  }
0x193: {  	s11 =	simm.s32 @p0 $0x10A00;
	[sflag:s7] =	ssyncadd.s32 @p0 $0xFFFF8000;
	s7 =	simm.s32 @p0 $0x200  }
0x194: {  	[spmem:s4] =	stream.indirect.scatter.add.f32 @p0 [tilespmem:s8], [sflag:$0x4], $0x10, s11, s7, $0xb8;
	[tilespmem:$0x19240] =	vst v63  }
0x195: {  	s8 =	simm.s32 @p0 $0x8000  }
0x196: {  	[spmem:s3] =	stream.indirect.scatter.add.f32 @p0 [tilespmem:s8], [sflag:$0x5], $0x40, s11, s7, $0xb8;
	[tilespmem:$0x19240] =	vst v63  }
0x197: {  	s12 =	rddreg [dreg:$0x13];
	s7 =	simm.s32 @!p0 $0x0;
	s8 =	simm.s32 @!p0 $0x2  }
0x198: {  	[tilespmem:s7], [sflag:$0x1] =	stream.linear.gather @!p0 [hbm4b:s12+s7], $0x8000, $0x38;
	[tilespmem:$0x19240] =	vst v63  }
0x199: {  	_ =	swait.ge @!p0 [sflag:s8], $0x8000  }
0x19a: {  	s11 =	simm.s32 @!p0 $0x10E00;
	[sflag:s8] =	ssyncset.done @!p0 $0x0  }
0x19b: {  	s12 =	simm.s32 @!p0 $0x10A00;
	[sflag:s8] =	ssyncadd.s32 @!p0 $0xFFFF8000;
	s8 =	simm.s32 @!p0 $0x200  }
0x19c: {  	[spmem:s4] =	stream.indirect.scatter.add.f32 @!p0 [tilespmem:s11], [sflag:$0x4], $0x10, s12, s8, $0xb8;
	[tilespmem:$0x19240] =	vst v63  }
0x19d: {  	s14 =	simm.s32 @!p0 $0x5;
	s13 =	simm.s32 @!p0 $0x8000  }
0x19e: {  	[spmem:s3] =	stream.indirect.scatter.add.f32 @!p0 [tilespmem:s13], [sflag:$0x5], $0x40, s12, s8, $0xb8;
	[tilespmem:$0x19240] =	vst v63  }
0x19f: {  	_ =	swait.ge @!p0 [sflag:s14], $0x8000  }
0x1a0: {  	[sflag:s14] =	ssyncset.done @!p0 $0x0  }
0x1a1: {  	s12 =	simm.s32 @!p0 $0x1;
	[sflag:s14] =	ssyncadd.s32 @!p0 $0xFFFF8000  }
0x1a2: {  	_ =	swait.ge @!p0 [sflag:s12], $0x8000  }
0x1a3: {  	[sflag:s12] =	ssyncset.done @!p0 $0x0  }
0x1a4: {  	[sflag:s12] =	ssyncadd.s32 @!p0 $0xFFFF8000;
	s12 =	simm.s32 @!p0 $0x10C00  }
0x1a5: {  	[spmem:s4] =	stream.indirect.scatter.add.f32 @!p0 [tilespmem:s11], [sflag:$0x4], $0x10, s12, s8, $0xb8;
	[tilespmem:$0x19240] =	vst v63  }
0x1a6: {  	_ = 	snop  }
0x1a7: {  	[spmem:s3] =	stream.indirect.scatter.add.f32 @!p0 [tilespmem:s7], [sflag:$0x5], $0x40, s12, s8, $0xb8;
	[tilespmem:$0x19240] =	vst v63  }
0x1a8: {  	_ =	swait.ge [sflag:s6], $0x8000  }
0x1a9: {  	[sflag:s6] =	ssyncset.done $0x0  }
0x1aa: {  	[sflag:s6] =	ssyncadd.s32 $0xFFFF8000  }
0x1ab: {  	_ =	swait.ge [sflag:s10], $0x2000  }
0x1ac: {  	[sflag:s10] =	ssyncset.done $0x0  }
0x1ad: {  	[sflag:s10] =	ssyncadd.s32 $0xFFFFE000  }
0x1ae: {  	_ =	swait.ge [sflag:s10], $0x2000  }
0x1af: {  	[sflag:s10] =	ssyncset.done $0x0  }
0x1b0: {  	[sflag:s10] =	ssyncadd.s32 $0xFFFFE000  }
0x1b1: {  	_ =	swait.ge [sflag:s10], $0x2000  }
0x1b2: {  	[sflag:s10] =	ssyncset.done $0x0  }
0x1b3: {  	[sflag:s10] =	ssyncadd.s32 $0xFFFFE000  }
0x1b4: {  	_ =	swait.ge [sflag:s10], $0x2000  }
0x1b5: {  	[sflag:s10] =	ssyncset.done $0x0  }
0x1b6: {  	[sflag:s10] =	ssyncadd.s32 $0xFFFFE000  }
0x1b7: {  	_ =	swait.ge [sflag:s10], $0x2000  }
0x1b8: {  	[sflag:s10] =	ssyncset.done $0x0  }
0x1b9: {  	[sflag:s10] =	ssyncadd.s32 $0xFFFFE000  }
0x1ba: {  	_ =	swait.ge [sflag:s10], $0x2000  }
0x1bb: {  	[sflag:s10] =	ssyncset.done $0x0  }
0x1bc: {  	s3 =	simm.s32 @!p0 $0x4;
	[sflag:s10] =	ssyncadd.s32 $0xFFFFE000  }
0x1bd: {  	_ =	swait.ge @!p0 [sflag:s3], $0x2000  }
0x1be: {  	[sflag:s3] =	ssyncset.done @!p0 $0x0  }
0x1bf: {  	s25 =	rddreg [dreg:$0x14];
	[sflag:s3] =	ssyncadd.s32 @!p0 $0xFFFFE000  }
0x1c0: {  	[tilespmem:s19], [sflag:$0x5] =	stream.linear.gather [hbm4b:s25+s2], $0x20, $0x38;
	[tilespmem:$0x19240] =	vst v63  }
0x1c1: {  	_ =	swait.ge [sflag:s6], $0x20  }
0x1c2: {  	s26 =	rddreg [dreg:$0x6];
	[sflag:s6] =	ssyncset.done $0x0  }
0x1c3: {  	s28 =	rddreg [dreg:$0x18];
	[sflag:s6] =	ssyncadd.s32 $0xFFFFFFE0  }
0x1c4: {  	[tilespmem:s15], [sflag:$0x3] =	stream.indirect.gather [hbm4b:s26+s28], $0x1, s19, s28, $0xb8;
	[tilespmem:$0x19240] =	vst v63  }
0x1c5: {  	_ =	swait.ge [sflag:s22], $0x20  }
0x1c6: {  	[sflag:s22] =	ssyncset.done $0x0  }
0x1c7: {  	s29 =	rddreg [dreg:$0x15];
	[sflag:s22] =	ssyncadd.s32 $0xFFFFFFE0  }
0x1c8: {  	[hbm4b:s29+s2] =	stream.linear.scatter [tilespmem:s15], [sflag:$0x5], $0x20, $0x38;
	[tilespmem:$0x19240] =	vst v63  }
0x1c9: {  	_ =	swait.ge [sflag:s6], $0x20  }
0x1ca: {  	[sflag:s6] =	ssyncset.done $0x0  }
0x1cb: {  	[sflag:s6] =	ssyncadd.s32 $0xFFFFFFE0  }
0x1cc: {  	[bflag:$0x0] =	sbarrier.arrive $0xFFFF  }
0x1cd: {  	s30 =	rddreg [dreg:$0x16]  }
0x1ce: {  	[hbm:s30], [sflag:s5] =	dma.local [spmem:s0], $0xA00  }
0x1cf: {  	_ =	swait.ge [sflag:s6], $0xA00  }
0x1d0: {  	[sflag:s6] =	ssyncset.done $0x0  }
0x1d1: {  	s31 =	rddreg [dreg:$0x17];
	[sflag:s6] =	ssyncadd.s32 $0xFFFFF600  }
0x1d2: {  	[hbm:s31], [sflag:s5] =	dma.local [spmem:s1], $0x280  }
0x1d3: {  	_ =	swait.ge [sflag:s6], $0x280  }
0x1d4: {  	[sflag:s6] =	ssyncset.done $0x0  }
0x1d5: {  	[sflag:s6] =	ssyncadd.s32 $0xFFFFFD80  }
0x1d6: {  	_ =	sfence.sel $0x180000  }
0x1d7: {  	[bflag:$0x0] =	sbarrier.arrive $0xFFFF  }
0x1d8: {  	p0 =	sne.s32 s17, $0x0;
	_ =	strace $0x90000047  }
0x1d9: {  	s0 =	sadd.s32 @!p0 $0x100000, s18;
	[bflag:$0x2] =	sbarrier.arrive $0xFFFF  }
0x1da: {  	[sflag:s0] =	ssyncadd.tile.s32 @!p0 $0x1;
	_ =	shalt  }
.LBB2_2:
.Ltmp3:
0x1db: {  	(pc) =	sbr.rel .LBB2_5-.Ltmp3, $4  }
0x1dc: {  	_ = 	snop  }
0x1dd: {  	s17 =	stileid.u32;
	s18 =	rddreg [dreg:$0x5];
	s15 =	simm.s32 $0x12E20  }
0x1de: {  	s19 =	simm.s32 $0x12E00;
	s21 =	simm.s32 $0x10800;
	s9 =	simm.s32 $0x10600  }
0x1df: {  	s22 =	simm.s32 $0x3;
	s23 =	simm.s32 $0x10400;
	s24 =	simm.s32 $0x10200  }
.Lfunc_end2:
_tile_overlayer_lowered:
.L_overlay_start_2:
0x1e0: {  	(tag) =	ssettag $0x2  }
0x1e1: {  	s0 =	rddreg [dreg:$0x0];
	s2 =	stileid.u32  }
0x1e2: {  	s1 =	rddreg [dreg:$0x1];
	p0 =	sne.s32 s2, $0x0  }
0x1e3: {  	s3 =	rddreg [dreg:$0x2];
	[bflag:$0x3] =	sbarrier.arrive $0xFFFF;
	s2 =	simm.s32 @!p0 $0x1C05  }
0x1e4: {  	[timem:s3], [sflag:s2] =	dma.local @!p0 [hbm:s0], s1  }
0x1e5: {  	s0 =	simm.s32 @!p0 $0x5  }
0x1e6: {  	_ =	swait.ge @!p0 [sflag:s0], s1  }
0x1e7: {  	s1 =	ssub.s32 @!p0 $0x0, s1;
	[sflag:s0] =	ssyncset.done @!p0 $0x0  }
0x1e8: {  	[sflag:s0] =	ssyncadd.s32 @!p0 s1  }
0x1e9: {  	[bflag:$0x3] =	sbarrier.arrive $0xFFFF  }
0x1ea: {  	_ =	shalt  }

</sc_bundles>
